<compile_context>
chip_gen: v7x
topology: tpu7x:2x2x1
jax: 0.10.2.dev20260603
libtpu: 0.0.44.dev20260713+nightly
codegen_flags: <defaults>
</compile_context>

<pallas_src>
import functools

import jax
import jax.numpy as jnp
from jax import lax
from jax.experimental import pallas as pl
from jax.experimental.pallas import tpu as pltpu
from jax.experimental.pallas import tpu_sc as plsc

_S, _Q, _E, _D = 20, 500, 16000, 128
_QP = 512
_CHUNK = 128
_NCQ = _QP // _CHUNK
_NTASK = _S * _NCQ
_NW = 32
_TPW = -(-_NTASK // _NW)

_mesh = plsc.VectorSubcoreMesh(core_axis_name="c", subcore_axis_name="s")


@functools.partial(
    pl.kernel,
    out_type=jax.ShapeDtypeStruct((_S, _QP, _QP), jnp.float32),
    mesh=_mesh,
    scratch_types=[
        pltpu.VMEM((_CHUNK, _QP), jnp.float32),
        pltpu.VMEM((2, 2, _E), jnp.int32),
        pltpu.SemaphoreType.DMA,
        pltpu.SemaphoreType.DMA,
    ],
    compiler_params=pltpu.CompilerParams(needs_layout_passes=False),
)
def _build_counts(edges_hbm, out_hbm, acc, ebuf, sem0, sem1):
    wid = lax.axis_index("s") * 2 + lax.axis_index("c")
    ones = jnp.ones((16,), jnp.float32)
    zeros = jnp.zeros((16,), jnp.float32)
    sems = [sem0, sem1]

    pltpu.async_copy(edges_hbm.at[wid // _NCQ], ebuf.at[0], sems[0])

    for k in range(_TPW):
        t = wid + k * _NW

        @pl.when(t < _NTASK)
        def _():
            s = t // _NCQ
            c0 = (t % _NCQ) * _CHUNK
            pltpu.make_async_copy(
                edges_hbm.at[s], ebuf.at[k % 2], sems[k % 2]).wait()
            if k + 1 < _TPW:
                t2 = t + _NW

                @pl.when(t2 < _NTASK)
                def _prefetch():
                    pltpu.async_copy(
                        edges_hbm.at[t2 // _NCQ], ebuf.at[(k + 1) % 2],
                        sems[(k + 1) % 2])

            @plsc.parallel_loop(0, _CHUNK, unroll=2)
            def _zero(i):
                for j in range(_QP // 16):
                    acc[i, pl.ds(j * 16, 16)] = zeros

            @plsc.parallel_loop(0, _E // 16, unroll=4)
            def _edges(g):
                r = ebuf[k % 2, 0, pl.ds(g * 16, 16)]
                c = ebuf[k % 2, 1, pl.ds(g * 16, 16)]
                cl = c - c0
                valid = (cl >= 0) & (cl < _CHUNK)
                plsc.addupdate_scatter(acc, [cl, r], ones, mask=valid)

            pltpu.sync_copy(acc, out_hbm.at[s, pl.ds(c0, _CHUNK), :])


_GPB = 4


def _gcn_body(c_ref, emb_ref, w1_ref, b1_ref, w2_ref, b2_ref, out_ref):
    h0 = jnp.dot(emb_ref[...], w1_ref[...], preferred_element_type=jnp.float32)
    for g in range(_GPB):
        Cz = c_ref[g]
        C = Cz[:_Q, :_Q].astype(jnp.bfloat16)
        deg = jnp.sum(Cz, axis=1, keepdims=True)[:_Q] + 1.0
        dinv = 1.0 / jnp.sqrt(deg)
        h = h0 * dinv
        y = (jnp.dot(C, h.astype(jnp.bfloat16),
                     preferred_element_type=jnp.float32) + h) * dinv
        x1 = jnp.maximum(y + b1_ref[...], 0.0)
        z = jnp.dot(x1, w2_ref[...], preferred_element_type=jnp.float32) * dinv
        y2 = (jnp.dot(C, z.astype(jnp.bfloat16),
                      preferred_element_type=jnp.float32) + z) * dinv
        out_ref[pl.ds(g * _Q, _Q)] = jnp.maximum(y2 + b2_ref[...], 0.0)


_gcn_tc = pl.pallas_call(
    _gcn_body,
    grid=(_S // _GPB,),
    in_specs=[
        pl.BlockSpec((_GPB, _QP, _QP), lambda s: (s, 0, 0)),
        pl.BlockSpec((_Q, _D), lambda s: (0, 0)),
        pl.BlockSpec((_D, _D), lambda s: (0, 0)),
        pl.BlockSpec((1, _D), lambda s: (0, 0)),
        pl.BlockSpec((_D, _D), lambda s: (0, 0)),
        pl.BlockSpec((1, _D), lambda s: (0, 0)),
    ],
    out_specs=pl.BlockSpec((_GPB * _Q, _D), lambda s: (s, 0)),
    out_shape=jax.ShapeDtypeStruct((_S * _Q, _D), jnp.float32),
)


def kernel(slice_matrices, qubit_embs, W1, b1, W2, b2):
    edges = slice_matrices.astype(jnp.int32)
    counts = _build_counts(edges)
    return _gcn_tc(counts, qubit_embs, W1, b1.reshape(1, _D), W2, b2.reshape(1, _D))

# --- scband reference (transcript-rebuilt; emitter-appended) ---
"""Pipeline reference for scband-gnnencoder-13134009991763 (READ-ONLY COPY).

The authoritative reference and input builder live on the scoring server;
editing this copy changes nothing except your own understanding.
"""

import jax, jax.numpy as jnp
import numpy as np

S, Q, E, D0, D1, D2 = 20, 500, 16000, 128, 128, 128


def setup_inputs(seed: int = 0) -> dict:
    key = jax.random.key(seed)
    k1, k2, k3, k4, k5, k6 = jax.random.split(key, 6)
    slice_matrices = jax.random.randint(k1, (S, 2, E), 0, Q, dtype=jnp.int64) if jax.config.jax_enable_x64 else jax.random.randint(k1, (S, 2, E), 0, Q).astype(jnp.int32)
    qubit_embs = jax.random.normal(k2, (Q, D0), dtype=jnp.float32)
    s1 = (2.0 / (D0 + D1)) ** 0.5
    s2 = (2.0 / (D1 + D2)) ** 0.5
    W1 = jax.random.normal(k3, (D0, D1), dtype=jnp.float32) * s1
    b1 = jnp.zeros((D1,), dtype=jnp.float32)
    W2 = jax.random.normal(k4, (D1, D2), dtype=jnp.float32) * s2
    b2 = jnp.zeros((D2,), dtype=jnp.float32)
    return {"slice_matrices": slice_matrices, "qubit_embs": qubit_embs, "W1": W1, "b1": b1, "W2": W2, "b2": b2}


def _gcn_conv(x, row, col, W, b, N):
    # PyG GCNConv: add self-loops, symmetric normalization D^-1/2 (A+I) D^-1/2, then X W + b
    x = x @ W
    loops = jnp.arange(N, dtype=row.dtype)
    row_sl = jnp.concatenate([row, loops])
    col_sl = jnp.concatenate([col, loops])
    deg = jax.ops.segment_sum(jnp.ones(row_sl.shape[0], dtype=x.dtype), col_sl, num_segments=N)
    dinv = jnp.where(deg > 0, 1.0 / jnp.sqrt(deg), 0.0)
    norm = dinv[row_sl] * dinv[col_sl]
    msgs = jnp.take(x, row_sl, axis=0) * norm[:, None]
    out = jax.ops.segment_sum(msgs, col_sl, num_segments=N)
    return out + b


def reference(slice_matrices, qubit_embs, W1, b1, W2, b2):
    # Batch.from_data_list: replicate node features per graph, offset edge indices
    N = S * Q
    offsets = (jnp.arange(S, dtype=slice_matrices.dtype) * Q)[:, None, None]
    ei = jnp.transpose(slice_matrices + offsets, (1, 0, 2)).reshape(2, S * E)
    row, col = ei[0], ei[1]
    x = jnp.tile(qubit_embs, (S, 1))
    x = jax.nn.relu(_gcn_conv(x, row, col, W1, b1, N))
    x = jax.nn.relu(_gcn_conv(x, row, col, W2, b2, N))
    return x

if __name__ == "__main__":
    import jax
    _d = setup_inputs()
    print(jax.jit(kernel)(*tuple(_d.values())))

</pallas_src>

<mosaic_0001>
#map = affine_map<(d0, d1) -> (0, 0, 0)>
module attributes {stable_mosaic.version = 14 : i64} {
  func.func @_build_counts(%arg0: i32, %arg1: i32, %arg2: memref<20x2x16000xi32, #tpu.memory_space<hbm>>, %arg3: memref<20x512x512xf32, #tpu.memory_space<hbm>>, %arg4: memref<128x512xf32, #tpu.memory_space<vmem>>, %arg5: memref<2x2x16000xi32, #tpu.memory_space<vmem>>, %arg6: memref<!tpu.dma_semaphore, #tpu.memory_space<semaphore_mem>>, %arg7: memref<!tpu.dma_semaphore, #tpu.memory_space<semaphore_mem>>) attributes {dimension_semantics = [#tpu.dimension_semantics<core_parallel>, #tpu.dimension_semantics<subcore_parallel>], iteration_bounds = array<i64: 2, 16>, scalar_prefetch = 0 : i64, scratch_operands = 4 : i64, tpu.core_type = #tpu.core_type<sc_vector_subcore>, window_params = [{transform_indices = #map}, {transform_indices = #map}]} {
    %mul3A = arith.constant 2 : i32
    %mul3A_0 = arith.muli %arg1, %mul3A : i32
    %add3A = arith.addi %mul3A_0, %arg0 : i32
    %broadcast_in_dim3A = arith.constant 1.000000e+00 : f32
    %broadcast_in_dim3A_1 = vector.broadcast %broadcast_in_dim3A : f32 to vector<16xf32>
    %broadcast_in_dim3A_2 = arith.constant 0.000000e+00 : f32
    %broadcast_in_dim3A_3 = vector.broadcast %broadcast_in_dim3A_2 : f32 to vector<16xf32>
    %jit3A = arith.constant 4 : i32
    %div3A = arith.divsi %add3A, %jit3A : i32
    %sign3A = arith.constant 0 : i32
    %sign3A_4 = arith.cmpi sgt, %add3A, %sign3A : i32
    %sign3A_5 = arith.extui %sign3A_4 : i1 to i32
    %sign3A_6 = arith.constant 0 : i32
    %sign3A_7 = arith.cmpi slt, %add3A, %sign3A_6 : i32
    %sign3A_8 = arith.extui %sign3A_7 : i1 to i32
    %sign3A_9 = arith.subi %sign3A_5, %sign3A_8 : i32
    %sign3A_10 = arith.constant 0 : i32
    %sign3A_11 = arith.cmpi sgt, %jit3A, %sign3A_10 : i32
    %sign3A_12 = arith.extui %sign3A_11 : i1 to i32
    %sign3A_13 = arith.constant 0 : i32
    %sign3A_14 = arith.cmpi slt, %jit3A, %sign3A_13 : i32
    %sign3A_15 = arith.extui %sign3A_14 : i1 to i32
    %sign3A_16 = arith.subi %sign3A_12, %sign3A_15 : i32
    %ne3A = arith.cmpi ne, %sign3A_9, %sign3A_16 : i32
    %rem3A = arith.remsi %add3A, %jit3A : i32
    %ne3A_17 = arith.constant 0 : i32
    %ne3A_18 = arith.cmpi ne, %rem3A, %ne3A_17 : i32
    %and3A = arith.andi %ne3A, %ne3A_18 : i1
    %sub3A = arith.constant 1 : i32
    %sub3A_19 = arith.subi %div3A, %sub3A : i32
    %select_n3A = arith.select %and3A, %sub3A_19, %div3A : i32
    %dma_start3A = arith.constant 0 : i32
    %dma_start3A_20 = arith.constant 0 : i32
    %dma_start3A_21 = arith.constant 0 : i32
    %dma_start3A_22 = tpu.memref_slice %arg5[%dma_start3A, %dma_start3A_20, %dma_start3A_21] : memref<2x2x16000xi32, #tpu.memory_space<vmem>> -> memref<1x2x16000xi32, #tpu.memory_space<vmem>>
    %dma_start3A_23 = tpu.memref_squeeze %dma_start3A_22 : memref<1x2x16000xi32, #tpu.memory_space<vmem>> -> memref<2x16000xi32, #tpu.memory_space<vmem>>
    %dma_start3A_24 = arith.constant 0 : i32
    %dma_start3A_25 = arith.constant 0 : i32
    %dma_start3A_26 = tpu.memref_slice %arg2[%select_n3A, %dma_start3A_24, %dma_start3A_25] : memref<20x2x16000xi32, #tpu.memory_space<hbm>> -> memref<1x2x16000xi32, #tpu.memory_space<hbm>>
    %dma_start3A_27 = tpu.memref_squeeze %dma_start3A_26 : memref<1x2x16000xi32, #tpu.memory_space<hbm>> -> memref<2x16000xi32, #tpu.memory_space<hbm>>
    %dma_start3A_28 = arith.constant 0 : i32
    %dma_start3A_29 = arith.constant 0 : i32
    %dma_start3A_30 = tpu.memref_slice %arg5[%dma_start3A, %dma_start3A_28, %dma_start3A_29] : memref<2x2x16000xi32, #tpu.memory_space<vmem>> -> memref<1x2x16000xi32, #tpu.memory_space<vmem>>
    %dma_start3A_31 = tpu.memref_squeeze %dma_start3A_30 : memref<1x2x16000xi32, #tpu.memory_space<vmem>> -> memref<2x16000xi32, #tpu.memory_space<vmem>>
    %dma_start3A_32 = arith.constant 0 : i32
    %dma_start3A_33 = arith.constant 0 : i32
    %dma_start3A_34 = tpu.memref_slice %arg2[%select_n3A, %dma_start3A_32, %dma_start3A_33] : memref<20x2x16000xi32, #tpu.memory_space<hbm>> -> memref<1x2x16000xi32, #tpu.memory_space<hbm>>
    %dma_start3A_35 = tpu.memref_squeeze %dma_start3A_34 : memref<1x2x16000xi32, #tpu.memory_space<hbm>> -> memref<2x16000xi32, #tpu.memory_space<hbm>>
    tpu.enqueue_dma source(%dma_start3A_35 : memref<2x16000xi32, #tpu.memory_space<hbm>>) target(%dma_start3A_31 : memref<2x16000xi32, #tpu.memory_space<vmem>>) target_semaphore(%arg6 : memref<!tpu.dma_semaphore, #tpu.memory_space<semaphore_mem>>)
    %add3A_36 = arith.constant 0 : i32
    %add3A_37 = arith.addi %add3A, %add3A_36 : i32
    %lt3A = arith.constant 80 : i32
    %lt3A_38 = arith.cmpi slt, %add3A_37, %lt3A : i32
    %convert_element_type3A = arith.extui %lt3A_38 : i1 to i32
    %cond3A = arith.constant 0 : i32
    %cond3A_39 = arith.cmpi ne, %convert_element_type3A, %cond3A : i32
    scf.if %cond3A_39 {
      %jit3A_54 = arith.constant 4 : i32
      %div3A_55 = arith.divsi %add3A_37, %jit3A_54 : i32
      %sign3A_56 = arith.constant 0 : i32
      %sign3A_57 = arith.cmpi sgt, %add3A_37, %sign3A_56 : i32
      %sign3A_58 = arith.extui %sign3A_57 : i1 to i32
      %sign3A_59 = arith.constant 0 : i32
      %sign3A_60 = arith.cmpi slt, %add3A_37, %sign3A_59 : i32
      %sign3A_61 = arith.extui %sign3A_60 : i1 to i32
      %sign3A_62 = arith.subi %sign3A_58, %sign3A_61 : i32
      %sign3A_63 = arith.constant 0 : i32
      %sign3A_64 = arith.cmpi sgt, %jit3A_54, %sign3A_63 : i32
      %sign3A_65 = arith.extui %sign3A_64 : i1 to i32
      %sign3A_66 = arith.constant 0 : i32
      %sign3A_67 = arith.cmpi slt, %jit3A_54, %sign3A_66 : i32
      %sign3A_68 = arith.extui %sign3A_67 : i1 to i32
      %sign3A_69 = arith.subi %sign3A_65, %sign3A_68 : i32
      %ne3A_70 = arith.cmpi ne, %sign3A_62, %sign3A_69 : i32
      %rem3A_71 = arith.remsi %add3A_37, %jit3A_54 : i32
      %ne3A_72 = arith.constant 0 : i32
      %ne3A_73 = arith.cmpi ne, %rem3A_71, %ne3A_72 : i32
      %and3A_74 = arith.andi %ne3A_70, %ne3A_73 : i1
      %sub3A_75 = arith.constant 1 : i32
      %sub3A_76 = arith.subi %div3A_55, %sub3A_75 : i32
      %select_n3A_77 = arith.select %and3A_74, %sub3A_76, %div3A_55 : i32
      %jit3A_78 = arith.constant 4 : i32
      %eq3A = arith.constant 0 : i32
      %eq3A_79 = arith.cmpi eq, %jit3A_78, %eq3A : i32
      %jit3A_80 = arith.constant 1 : i32
      %select_n3A_81 = arith.select %eq3A_79, %jit3A_80, %jit3A_78 : i32
      %rem3A_82 = arith.remsi %add3A_37, %select_n3A_81 : i32
      %ne3A_83 = arith.constant 0 : i32
      %ne3A_84 = arith.cmpi ne, %rem3A_82, %ne3A_83 : i32
      %lt3A_85 = arith.constant 0 : i32
      %lt3A_86 = arith.cmpi slt, %rem3A_82, %lt3A_85 : i32
      %lt3A_87 = arith.constant 0 : i32
      %lt3A_88 = arith.cmpi slt, %select_n3A_81, %lt3A_87 : i32
      %ne3A_89 = arith.xori %lt3A_86, %lt3A_88 : i1
      %and3A_90 = arith.andi %ne3A_89, %ne3A_84 : i1
      %add3A_91 = arith.addi %rem3A_82, %select_n3A_81 : i32
      %select_n3A_92 = arith.select %and3A_90, %add3A_91, %rem3A_82 : i32
      %mul3A_93 = arith.constant 128 : i32
      %mul3A_94 = arith.muli %select_n3A_92, %mul3A_93 : i32
      %dma_wait3A = arith.constant 0 : i32
      %dma_wait3A_95 = arith.constant 0 : i32
      %dma_wait3A_96 = arith.constant 0 : i32
      %dma_wait3A_97 = tpu.memref_slice %arg5[%dma_wait3A, %dma_wait3A_95, %dma_wait3A_96] : memref<2x2x16000xi32, #tpu.memory_space<vmem>> -> memref<1x2x16000xi32, #tpu.memory_space<vmem>>
      %dma_wait3A_98 = tpu.memref_squeeze %dma_wait3A_97 : memref<1x2x16000xi32, #tpu.memory_space<vmem>> -> memref<2x16000xi32, #tpu.memory_space<vmem>>
      %dma_wait3A_99 = arith.constant 0 : i32
      %dma_wait3A_100 = arith.constant 0 : i32
      %dma_wait3A_101 = tpu.memref_slice %arg2[%select_n3A_77, %dma_wait3A_99, %dma_wait3A_100] : memref<20x2x16000xi32, #tpu.memory_space<hbm>> -> memref<1x2x16000xi32, #tpu.memory_space<hbm>>
      %dma_wait3A_102 = tpu.memref_squeeze %dma_wait3A_101 : memref<1x2x16000xi32, #tpu.memory_space<hbm>> -> memref<2x16000xi32, #tpu.memory_space<hbm>>
      %dma_wait3A_103 = arith.constant 0 : i32
      %dma_wait3A_104 = arith.constant 0 : i32
      %dma_wait3A_105 = tpu.memref_slice %arg5[%dma_wait3A, %dma_wait3A_103, %dma_wait3A_104] : memref<2x2x16000xi32, #tpu.memory_space<vmem>> -> memref<1x2x16000xi32, #tpu.memory_space<vmem>>
      %dma_wait3A_106 = tpu.memref_squeeze %dma_wait3A_105 : memref<1x2x16000xi32, #tpu.memory_space<vmem>> -> memref<2x16000xi32, #tpu.memory_space<vmem>>
      %dma_wait3A_107 = arith.constant 0 : i32
      %dma_wait3A_108 = arith.constant 0 : i32
      %dma_wait3A_109 = tpu.memref_slice %arg2[%select_n3A_77, %dma_wait3A_107, %dma_wait3A_108] : memref<20x2x16000xi32, #tpu.memory_space<hbm>> -> memref<1x2x16000xi32, #tpu.memory_space<hbm>>
      %dma_wait3A_110 = tpu.memref_squeeze %dma_wait3A_109 : memref<1x2x16000xi32, #tpu.memory_space<hbm>> -> memref<2x16000xi32, #tpu.memory_space<hbm>>
      tpu.wait_dma2 semaphore(%arg6 : memref<!tpu.dma_semaphore, #tpu.memory_space<semaphore_mem>>) src(%dma_wait3A_110 : memref<2x16000xi32, #tpu.memory_space<hbm>>) dst(%dma_wait3A_106 : memref<2x16000xi32, #tpu.memory_space<vmem>>)
      %add3A_111 = arith.constant 32 : i32
      %add3A_112 = arith.addi %add3A_37, %add3A_111 : i32
      %lt3A_113 = arith.constant 80 : i32
      %lt3A_114 = arith.cmpi slt, %add3A_112, %lt3A_113 : i32
      %convert_element_type3A_115 = arith.extui %lt3A_114 : i1 to i32
      %cond3A_116 = arith.constant 0 : i32
      %cond3A_117 = arith.cmpi ne, %convert_element_type3A_115, %cond3A_116 : i32
      scf.if %cond3A_117 {
        %jit3A_123 = arith.constant 4 : i32
        %div3A_124 = arith.divsi %add3A_112, %jit3A_123 : i32
        %sign3A_125 = arith.constant 0 : i32
        %sign3A_126 = arith.cmpi sgt, %add3A_112, %sign3A_125 : i32
        %sign3A_127 = arith.extui %sign3A_126 : i1 to i32
        %sign3A_128 = arith.constant 0 : i32
        %sign3A_129 = arith.cmpi slt, %add3A_112, %sign3A_128 : i32
        %sign3A_130 = arith.extui %sign3A_129 : i1 to i32
        %sign3A_131 = arith.subi %sign3A_127, %sign3A_130 : i32
        %sign3A_132 = arith.constant 0 : i32
        %sign3A_133 = arith.cmpi sgt, %jit3A_123, %sign3A_132 : i32
        %sign3A_134 = arith.extui %sign3A_133 : i1 to i32
        %sign3A_135 = arith.constant 0 : i32
        %sign3A_136 = arith.cmpi slt, %jit3A_123, %sign3A_135 : i32
        %sign3A_137 = arith.extui %sign3A_136 : i1 to i32
        %sign3A_138 = arith.subi %sign3A_134, %sign3A_137 : i32
        %ne3A_139 = arith.cmpi ne, %sign3A_131, %sign3A_138 : i32
        %rem3A_140 = arith.remsi %add3A_112, %jit3A_123 : i32
        %ne3A_141 = arith.constant 0 : i32
        %ne3A_142 = arith.cmpi ne, %rem3A_140, %ne3A_141 : i32
        %and3A_143 = arith.andi %ne3A_139, %ne3A_142 : i1
        %sub3A_144 = arith.constant 1 : i32
        %sub3A_145 = arith.subi %div3A_124, %sub3A_144 : i32
        %select_n3A_146 = arith.select %and3A_143, %sub3A_145, %div3A_124 : i32
        %dma_start3A_147 = arith.constant 1 : i32
        %dma_start3A_148 = arith.constant 0 : i32
        %dma_start3A_149 = arith.constant 0 : i32
        %dma_start3A_150 = tpu.memref_slice %arg5[%dma_start3A_147, %dma_start3A_148, %dma_start3A_149] : memref<2x2x16000xi32, #tpu.memory_space<vmem>> -> memref<1x2x16000xi32, #tpu.memory_space<vmem>>
        %dma_start3A_151 = tpu.memref_squeeze %dma_start3A_150 : memref<1x2x16000xi32, #tpu.memory_space<vmem>> -> memref<2x16000xi32, #tpu.memory_space<vmem>>
        %dma_start3A_152 = arith.constant 0 : i32
        %dma_start3A_153 = arith.constant 0 : i32
        %dma_start3A_154 = tpu.memref_slice %arg2[%select_n3A_146, %dma_start3A_152, %dma_start3A_153] : memref<20x2x16000xi32, #tpu.memory_space<hbm>> -> memref<1x2x16000xi32, #tpu.memory_space<hbm>>
        %dma_start3A_155 = tpu.memref_squeeze %dma_start3A_154 : memref<1x2x16000xi32, #tpu.memory_space<hbm>> -> memref<2x16000xi32, #tpu.memory_space<hbm>>
        %dma_start3A_156 = arith.constant 0 : i32
        %dma_start3A_157 = arith.constant 0 : i32
        %dma_start3A_158 = tpu.memref_slice %arg5[%dma_start3A_147, %dma_start3A_156, %dma_start3A_157] : memref<2x2x16000xi32, #tpu.memory_space<vmem>> -> memref<1x2x16000xi32, #tpu.memory_space<vmem>>
        %dma_start3A_159 = tpu.memref_squeeze %dma_start3A_158 : memref<1x2x16000xi32, #tpu.memory_space<vmem>> -> memref<2x16000xi32, #tpu.memory_space<vmem>>
        %dma_start3A_160 = arith.constant 0 : i32
        %dma_start3A_161 = arith.constant 0 : i32
        %dma_start3A_162 = tpu.memref_slice %arg2[%select_n3A_146, %dma_start3A_160, %dma_start3A_161] : memref<20x2x16000xi32, #tpu.memory_space<hbm>> -> memref<1x2x16000xi32, #tpu.memory_space<hbm>>
        %dma_start3A_163 = tpu.memref_squeeze %dma_start3A_162 : memref<1x2x16000xi32, #tpu.memory_space<hbm>> -> memref<2x16000xi32, #tpu.memory_space<hbm>>
        tpu.enqueue_dma source(%dma_start3A_163 : memref<2x16000xi32, #tpu.memory_space<hbm>>) target(%dma_start3A_159 : memref<2x16000xi32, #tpu.memory_space<vmem>>) target_semaphore(%arg7 : memref<!tpu.dma_semaphore, #tpu.memory_space<semaphore_mem>>)
      } else {
      }
      %parallel_loop3A = arith.constant 0 : i32
      %parallel_loop3A_118 = arith.constant 128 : i32
      %parallel_loop3A_119 = arith.constant 1 : i32
      scf.for %parallel_loop3A_123 = %parallel_loop3A to %parallel_loop3A_118 step %parallel_loop3A_119  : i32 {
        %parallel_loop3A_124 = arith.index_cast %parallel_loop3A_123 : i32 to index
        %parallel_loop3A_125 = arith.constant 0 : index
        %parallel_loop3A_126 = tpu.vector_load %arg4[%parallel_loop3A_124, %parallel_loop3A_125] {strides = array<i32>} : memref<128x512xf32, #tpu.memory_space<vmem>>, vector<16xf32>,
        tpu.vector_store %arg4[%parallel_loop3A_124, %parallel_loop3A_125], %broadcast_in_dim3A_3 {strides = array<i32>} : memref<128x512xf32, #tpu.memory_space<vmem>>, vector<16xf32>,
        %parallel_loop3A_127 = arith.index_cast %parallel_loop3A_123 : i32 to index
        %parallel_loop3A_128 = arith.constant 16 : index
        %parallel_loop3A_129 = tpu.vector_load %arg4[%parallel_loop3A_127, %parallel_loop3A_128] {strides = array<i32>} : memref<128x512xf32, #tpu.memory_space<vmem>>, vector<16xf32>,
        tpu.vector_store %arg4[%parallel_loop3A_127, %parallel_loop3A_128], %broadcast_in_dim3A_3 {strides = array<i32>} : memref<128x512xf32, #tpu.memory_space<vmem>>, vector<16xf32>,
        %parallel_loop3A_130 = arith.index_cast %parallel_loop3A_123 : i32 to index
        %parallel_loop3A_131 = arith.constant 32 : index
        %parallel_loop3A_132 = tpu.vector_load %arg4[%parallel_loop3A_130, %parallel_loop3A_131] {strides = array<i32>} : memref<128x512xf32, #tpu.memory_space<vmem>>, vector<16xf32>,
        tpu.vector_store %arg4[%parallel_loop3A_130, %parallel_loop3A_131], %broadcast_in_dim3A_3 {strides = array<i32>} : memref<128x512xf32, #tpu.memory_space<vmem>>, vector<16xf32>,
        %parallel_loop3A_133 = arith.index_cast %parallel_loop3A_123 : i32 to index
        %parallel_loop3A_134 = arith.constant 48 : index
        %parallel_loop3A_135 = tpu.vector_load %arg4[%parallel_loop3A_133, %parallel_loop3A_134] {strides = array<i32>} : memref<128x512xf32, #tpu.memory_space<vmem>>, vector<16xf32>,
        tpu.vector_store %arg4[%parallel_loop3A_133, %parallel_loop3A_134], %broadcast_in_dim3A_3 {strides = array<i32>} : memref<128x512xf32, #tpu.memory_space<vmem>>, vector<16xf32>,
        %parallel_loop3A_136 = arith.index_cast %parallel_loop3A_123 : i32 to index
        %parallel_loop3A_137 = arith.constant 64 : index
        %parallel_loop3A_138 = tpu.vector_load %arg4[%parallel_loop3A_136, %parallel_loop3A_137] {strides = array<i32>} : memref<128x512xf32, #tpu.memory_space<vmem>>, vector<16xf32>,
        tpu.vector_store %arg4[%parallel_loop3A_136, %parallel_loop3A_137], %broadcast_in_dim3A_3 {strides = array<i32>} : memref<128x512xf32, #tpu.memory_space<vmem>>, vector<16xf32>,
        %parallel_loop3A_139 = arith.index_cast %parallel_loop3A_123 : i32 to index
        %parallel_loop3A_140 = arith.constant 80 : index
        %parallel_loop3A_141 = tpu.vector_load %arg4[%parallel_loop3A_139, %parallel_loop3A_140] {strides = array<i32>} : memref<128x512xf32, #tpu.memory_space<vmem>>, vector<16xf32>,
        tpu.vector_store %arg4[%parallel_loop3A_139, %parallel_loop3A_140], %broadcast_in_dim3A_3 {strides = array<i32>} : memref<128x512xf32, #tpu.memory_space<vmem>>, vector<16xf32>,
        %parallel_loop3A_142 = arith.index_cast %parallel_loop3A_123 : i32 to index
        %parallel_loop3A_143 = arith.constant 96 : index
        %parallel_loop3A_144 = tpu.vector_load %arg4[%parallel_loop3A_142, %parallel_loop3A_143] {strides = array<i32>} : memref<128x512xf32, #tpu.memory_space<vmem>>, vector<16xf32>,
        tpu.vector_store %arg4[%parallel_loop3A_142, %parallel_loop3A_143], %broadcast_in_dim3A_3 {strides = array<i32>} : memref<128x512xf32, #tpu.memory_space<vmem>>, vector<16xf32>,
        %parallel_loop3A_145 = arith.index_cast %parallel_loop3A_123 : i32 to index
        %parallel_loop3A_146 = arith.constant 112 : index
        %parallel_loop3A_147 = tpu.vector_load %arg4[%parallel_loop3A_145, %parallel_loop3A_146] {strides = array<i32>} : memref<128x512xf32, #tpu.memory_space<vmem>>, vector<16xf32>,
        tpu.vector_store %arg4[%parallel_loop3A_145, %parallel_loop3A_146], %broadcast_in_dim3A_3 {strides = array<i32>} : memref<128x512xf32, #tpu.memory_space<vmem>>, vector<16xf32>,
        %parallel_loop3A_148 = arith.index_cast %parallel_loop3A_123 : i32 to index
        %parallel_loop3A_149 = arith.constant 128 : index
        %parallel_loop3A_150 = tpu.vector_load %arg4[%parallel_loop3A_148, %parallel_loop3A_149] {strides = array<i32>} : memref<128x512xf32, #tpu.memory_space<vmem>>, vector<16xf32>,
        tpu.vector_store %arg4[%parallel_loop3A_148, %parallel_loop3A_149], %broadcast_in_dim3A_3 {strides = array<i32>} : memref<128x512xf32, #tpu.memory_space<vmem>>, vector<16xf32>,
        %parallel_loop3A_151 = arith.index_cast %parallel_loop3A_123 : i32 to index
        %parallel_loop3A_152 = arith.constant 144 : index
        %parallel_loop3A_153 = tpu.vector_load %arg4[%parallel_loop3A_151, %parallel_loop3A_152] {strides = array<i32>} : memref<128x512xf32, #tpu.memory_space<vmem>>, vector<16xf32>,
        tpu.vector_store %arg4[%parallel_loop3A_151, %parallel_loop3A_152], %broadcast_in_dim3A_3 {strides = array<i32>} : memref<128x512xf32, #tpu.memory_space<vmem>>, vector<16xf32>,
        %parallel_loop3A_154 = arith.index_cast %parallel_loop3A_123 : i32 to index
        %parallel_loop3A_155 = arith.constant 160 : index
        %parallel_loop3A_156 = tpu.vector_load %arg4[%parallel_loop3A_154, %parallel_loop3A_155] {strides = array<i32>} : memref<128x512xf32, #tpu.memory_space<vmem>>, vector<16xf32>,
        tpu.vector_store %arg4[%parallel_loop3A_154, %parallel_loop3A_155], %broadcast_in_dim3A_3 {strides = array<i32>} : memref<128x512xf32, #tpu.memory_space<vmem>>, vector<16xf32>,
        %parallel_loop3A_157 = arith.index_cast %parallel_loop3A_123 : i32 to index
        %parallel_loop3A_158 = arith.constant 176 : index
        %parallel_loop3A_159 = tpu.vector_load %arg4[%parallel_loop3A_157, %parallel_loop3A_158] {strides = array<i32>} : memref<128x512xf32, #tpu.memory_space<vmem>>, vector<16xf32>,
        tpu.vector_store %arg4[%parallel_loop3A_157, %parallel_loop3A_158], %broadcast_in_dim3A_3 {strides = array<i32>} : memref<128x512xf32, #tpu.memory_space<vmem>>, vector<16xf32>,
        %parallel_loop3A_160 = arith.index_cast %parallel_loop3A_123 : i32 to index
        %parallel_loop3A_161 = arith.constant 192 : index
        %parallel_loop3A_162 = tpu.vector_load %arg4[%parallel_loop3A_160, %parallel_loop3A_161] {strides = array<i32>} : memref<128x512xf32, #tpu.memory_space<vmem>>, vector<16xf32>,
        tpu.vector_store %arg4[%parallel_loop3A_160, %parallel_loop3A_161], %broadcast_in_dim3A_3 {strides = array<i32>} : memref<128x512xf32, #tpu.memory_space<vmem>>, vector<16xf32>,
        %parallel_loop3A_163 = arith.index_cast %parallel_loop3A_123 : i32 to index
        %parallel_loop3A_164 = arith.constant 208 : index
        %parallel_loop3A_165 = tpu.vector_load %arg4[%parallel_loop3A_163, %parallel_loop3A_164] {strides = array<i32>} : memref<128x512xf32, #tpu.memory_space<vmem>>, vector<16xf32>,
        tpu.vector_store %arg4[%parallel_loop3A_163, %parallel_loop3A_164], %broadcast_in_dim3A_3 {strides = array<i32>} : memref<128x512xf32, #tpu.memory_space<vmem>>, vector<16xf32>,
        %parallel_loop3A_166 = arith.index_cast %parallel_loop3A_123 : i32 to index
        %parallel_loop3A_167 = arith.constant 224 : index
        %parallel_loop3A_168 = tpu.vector_load %arg4[%parallel_loop3A_166, %parallel_loop3A_167] {strides = array<i32>} : memref<128x512xf32, #tpu.memory_space<vmem>>, vector<16xf32>,
        tpu.vector_store %arg4[%parallel_loop3A_166, %parallel_loop3A_167], %broadcast_in_dim3A_3 {strides = array<i32>} : memref<128x512xf32, #tpu.memory_space<vmem>>, vector<16xf32>,
        %parallel_loop3A_169 = arith.index_cast %parallel_loop3A_123 : i32 to index
        %parallel_loop3A_170 = arith.constant 240 : index
        %parallel_loop3A_171 = tpu.vector_load %arg4[%parallel_loop3A_169, %parallel_loop3A_170] {strides = array<i32>} : memref<128x512xf32, #tpu.memory_space<vmem>>, vector<16xf32>,
        tpu.vector_store %arg4[%parallel_loop3A_169, %parallel_loop3A_170], %broadcast_in_dim3A_3 {strides = array<i32>} : memref<128x512xf32, #tpu.memory_space<vmem>>, vector<16xf32>,
        %parallel_loop3A_172 = arith.index_cast %parallel_loop3A_123 : i32 to index
        %parallel_loop3A_173 = arith.constant 256 : index
        %parallel_loop3A_174 = tpu.vector_load %arg4[%parallel_loop3A_172, %parallel_loop3A_173] {strides = array<i32>} : memref<128x512xf32, #tpu.memory_space<vmem>>, vector<16xf32>,
        tpu.vector_store %arg4[%parallel_loop3A_172, %parallel_loop3A_173], %broadcast_in_dim3A_3 {strides = array<i32>} : memref<128x512xf32, #tpu.memory_space<vmem>>, vector<16xf32>,
        %parallel_loop3A_175 = arith.index_cast %parallel_loop3A_123 : i32 to index
        %parallel_loop3A_176 = arith.constant 272 : index
        %parallel_loop3A_177 = tpu.vector_load %arg4[%parallel_loop3A_175, %parallel_loop3A_176] {strides = array<i32>} : memref<128x512xf32, #tpu.memory_space<vmem>>, vector<16xf32>,
        tpu.vector_store %arg4[%parallel_loop3A_175, %parallel_loop3A_176], %broadcast_in_dim3A_3 {strides = array<i32>} : memref<128x512xf32, #tpu.memory_space<vmem>>, vector<16xf32>,
        %parallel_loop3A_178 = arith.index_cast %parallel_loop3A_123 : i32 to index
        %parallel_loop3A_179 = arith.constant 288 : index
        %parallel_loop3A_180 = tpu.vector_load %arg4[%parallel_loop3A_178, %parallel_loop3A_179] {strides = array<i32>} : memref<128x512xf32, #tpu.memory_space<vmem>>, vector<16xf32>,
        tpu.vector_store %arg4[%parallel_loop3A_178, %parallel_loop3A_179], %broadcast_in_dim3A_3 {strides = array<i32>} : memref<128x512xf32, #tpu.memory_space<vmem>>, vector<16xf32>,
        %parallel_loop3A_181 = arith.index_cast %parallel_loop3A_123 : i32 to index
        %parallel_loop3A_182 = arith.constant 304 : index
        %parallel_loop3A_183 = tpu.vector_load %arg4[%parallel_loop3A_181, %parallel_loop3A_182] {strides = array<i32>} : memref<128x512xf32, #tpu.memory_space<vmem>>, vector<16xf32>,
        tpu.vector_store %arg4[%parallel_loop3A_181, %parallel_loop3A_182], %broadcast_in_dim3A_3 {strides = array<i32>} : memref<128x512xf32, #tpu.memory_space<vmem>>, vector<16xf32>,
        %parallel_loop3A_184 = arith.index_cast %parallel_loop3A_123 : i32 to index
        %parallel_loop3A_185 = arith.constant 320 : index
        %parallel_loop3A_186 = tpu.vector_load %arg4[%parallel_loop3A_184, %parallel_loop3A_185] {strides = array<i32>} : memref<128x512xf32, #tpu.memory_space<vmem>>, vector<16xf32>,
        tpu.vector_store %arg4[%parallel_loop3A_184, %parallel_loop3A_185], %broadcast_in_dim3A_3 {strides = array<i32>} : memref<128x512xf32, #tpu.memory_space<vmem>>, vector<16xf32>,
        %parallel_loop3A_187 = arith.index_cast %parallel_loop3A_123 : i32 to index
        %parallel_loop3A_188 = arith.constant 336 : index
        %parallel_loop3A_189 = tpu.vector_load %arg4[%parallel_loop3A_187, %parallel_loop3A_188] {strides = array<i32>} : memref<128x512xf32, #tpu.memory_space<vmem>>, vector<16xf32>,
        tpu.vector_store %arg4[%parallel_loop3A_187, %parallel_loop3A_188], %broadcast_in_dim3A_3 {strides = array<i32>} : memref<128x512xf32, #tpu.memory_space<vmem>>, vector<16xf32>,
        %parallel_loop3A_190 = arith.index_cast %parallel_loop3A_123 : i32 to index
        %parallel_loop3A_191 = arith.constant 352 : index
        %parallel_loop3A_192 = tpu.vector_load %arg4[%parallel_loop3A_190, %parallel_loop3A_191] {strides = array<i32>} : memref<128x512xf32, #tpu.memory_space<vmem>>, vector<16xf32>,
        tpu.vector_store %arg4[%parallel_loop3A_190, %parallel_loop3A_191], %broadcast_in_dim3A_3 {strides = array<i32>} : memref<128x512xf32, #tpu.memory_space<vmem>>, vector<16xf32>,
        %parallel_loop3A_193 = arith.index_cast %parallel_loop3A_123 : i32 to index
        %parallel_loop3A_194 = arith.constant 368 : index
        %parallel_loop3A_195 = tpu.vector_load %arg4[%parallel_loop3A_193, %parallel_loop3A_194] {strides = array<i32>} : memref<128x512xf32, #tpu.memory_space<vmem>>, vector<16xf32>,
        tpu.vector_store %arg4[%parallel_loop3A_193, %parallel_loop3A_194], %broadcast_in_dim3A_3 {strides = array<i32>} : memref<128x512xf32, #tpu.memory_space<vmem>>, vector<16xf32>,
        %parallel_loop3A_196 = arith.index_cast %parallel_loop3A_123 : i32 to index
        %parallel_loop3A_197 = arith.constant 384 : index
        %parallel_loop3A_198 = tpu.vector_load %arg4[%parallel_loop3A_196, %parallel_loop3A_197] {strides = array<i32>} : memref<128x512xf32, #tpu.memory_space<vmem>>, vector<16xf32>,
        tpu.vector_store %arg4[%parallel_loop3A_196, %parallel_loop3A_197], %broadcast_in_dim3A_3 {strides = array<i32>} : memref<128x512xf32, #tpu.memory_space<vmem>>, vector<16xf32>,
        %parallel_loop3A_199 = arith.index_cast %parallel_loop3A_123 : i32 to index
        %parallel_loop3A_200 = arith.constant 400 : index
        %parallel_loop3A_201 = tpu.vector_load %arg4[%parallel_loop3A_199, %parallel_loop3A_200] {strides = array<i32>} : memref<128x512xf32, #tpu.memory_space<vmem>>, vector<16xf32>,
        tpu.vector_store %arg4[%parallel_loop3A_199, %parallel_loop3A_200], %broadcast_in_dim3A_3 {strides = array<i32>} : memref<128x512xf32, #tpu.memory_space<vmem>>, vector<16xf32>,
        %parallel_loop3A_202 = arith.index_cast %parallel_loop3A_123 : i32 to index
        %parallel_loop3A_203 = arith.constant 416 : index
        %parallel_loop3A_204 = tpu.vector_load %arg4[%parallel_loop3A_202, %parallel_loop3A_203] {strides = array<i32>} : memref<128x512xf32, #tpu.memory_space<vmem>>, vector<16xf32>,
        tpu.vector_store %arg4[%parallel_loop3A_202, %parallel_loop3A_203], %broadcast_in_dim3A_3 {strides = array<i32>} : memref<128x512xf32, #tpu.memory_space<vmem>>, vector<16xf32>,
        %parallel_loop3A_205 = arith.index_cast %parallel_loop3A_123 : i32 to index
        %parallel_loop3A_206 = arith.constant 432 : index
        %parallel_loop3A_207 = tpu.vector_load %arg4[%parallel_loop3A_205, %parallel_loop3A_206] {strides = array<i32>} : memref<128x512xf32, #tpu.memory_space<vmem>>, vector<16xf32>,
        tpu.vector_store %arg4[%parallel_loop3A_205, %parallel_loop3A_206], %broadcast_in_dim3A_3 {strides = array<i32>} : memref<128x512xf32, #tpu.memory_space<vmem>>, vector<16xf32>,
        %parallel_loop3A_208 = arith.index_cast %parallel_loop3A_123 : i32 to index
        %parallel_loop3A_209 = arith.constant 448 : index
        %parallel_loop3A_210 = tpu.vector_load %arg4[%parallel_loop3A_208, %parallel_loop3A_209] {strides = array<i32>} : memref<128x512xf32, #tpu.memory_space<vmem>>, vector<16xf32>,
        tpu.vector_store %arg4[%parallel_loop3A_208, %parallel_loop3A_209], %broadcast_in_dim3A_3 {strides = array<i32>} : memref<128x512xf32, #tpu.memory_space<vmem>>, vector<16xf32>,
        %parallel_loop3A_211 = arith.index_cast %parallel_loop3A_123 : i32 to index
        %parallel_loop3A_212 = arith.constant 464 : index
        %parallel_loop3A_213 = tpu.vector_load %arg4[%parallel_loop3A_211, %parallel_loop3A_212] {strides = array<i32>} : memref<128x512xf32, #tpu.memory_space<vmem>>, vector<16xf32>,
        tpu.vector_store %arg4[%parallel_loop3A_211, %parallel_loop3A_212], %broadcast_in_dim3A_3 {strides = array<i32>} : memref<128x512xf32, #tpu.memory_space<vmem>>, vector<16xf32>,
        %parallel_loop3A_214 = arith.index_cast %parallel_loop3A_123 : i32 to index
        %parallel_loop3A_215 = arith.constant 480 : index
        %parallel_loop3A_216 = tpu.vector_load %arg4[%parallel_loop3A_214, %parallel_loop3A_215] {strides = array<i32>} : memref<128x512xf32, #tpu.memory_space<vmem>>, vector<16xf32>,
        tpu.vector_store %arg4[%parallel_loop3A_214, %parallel_loop3A_215], %broadcast_in_dim3A_3 {strides = array<i32>} : memref<128x512xf32, #tpu.memory_space<vmem>>, vector<16xf32>,
        %parallel_loop3A_217 = arith.index_cast %parallel_loop3A_123 : i32 to index
        %parallel_loop3A_218 = arith.constant 496 : index
        %parallel_loop3A_219 = tpu.vector_load %arg4[%parallel_loop3A_217, %parallel_loop3A_218] {strides = array<i32>} : memref<128x512xf32, #tpu.memory_space<vmem>>, vector<16xf32>,
        tpu.vector_store %arg4[%parallel_loop3A_217, %parallel_loop3A_218], %broadcast_in_dim3A_3 {strides = array<i32>} : memref<128x512xf32, #tpu.memory_space<vmem>>, vector<16xf32>,
      } {sc.loop_unroll_factor = 2 : i64, sc.parallel_access}
      %parallel_loop3A_120 = arith.constant 0 : i32
      %parallel_loop3A_121 = arith.constant 1000 : i32
      %parallel_loop3A_122 = arith.constant 1 : i32
      scf.for %parallel_loop3A_123 = %parallel_loop3A_120 to %parallel_loop3A_121 step %parallel_loop3A_122  : i32 {
        %parallel_loop3A_124 = arith.constant 16 : i32
        %parallel_loop3A_125 = arith.muli %parallel_loop3A_123, %parallel_loop3A_124 : i32
        %parallel_loop3A_126 = arith.constant 0 : i32
        %parallel_loop3A_127 = arith.constant 0 : i32
        %parallel_loop3A_128 = arith.index_cast %parallel_loop3A_126 : i32 to index
        %parallel_loop3A_129 = arith.index_cast %parallel_loop3A_127 : i32 to index
        %parallel_loop3A_130 = arith.index_cast %parallel_loop3A_125 : i32 to index
        %parallel_loop3A_131 = tpu.vector_load %arg5[%parallel_loop3A_128, %parallel_loop3A_129, %parallel_loop3A_130] {strides = array<i32>} : memref<2x2x16000xi32, #tpu.memory_space<vmem>>, vector<16xi32>,
        %parallel_loop3A_132 = arith.constant 16 : i32
        %parallel_loop3A_133 = arith.muli %parallel_loop3A_123, %parallel_loop3A_132 : i32
        %parallel_loop3A_134 = arith.constant 0 : i32
        %parallel_loop3A_135 = arith.constant 1 : i32
        %parallel_loop3A_136 = arith.index_cast %parallel_loop3A_134 : i32 to index
        %parallel_loop3A_137 = arith.index_cast %parallel_loop3A_135 : i32 to index
        %parallel_loop3A_138 = arith.index_cast %parallel_loop3A_133 : i32 to index
        %parallel_loop3A_139 = tpu.vector_load %arg5[%parallel_loop3A_136, %parallel_loop3A_137, %parallel_loop3A_138] {strides = array<i32>} : memref<2x2x16000xi32, #tpu.memory_space<vmem>>, vector<16xi32>,
        %parallel_loop3A_140 = vector.broadcast %mul3A_94 : i32 to vector<16xi32>
        %parallel_loop3A_141 = arith.subi %parallel_loop3A_139, %parallel_loop3A_140 : vector<16xi32>
        %parallel_loop3A_142 = arith.constant 0 : i32
        %parallel_loop3A_143 = vector.broadcast %parallel_loop3A_142 : i32 to vector<16xi32>
        %parallel_loop3A_144 = arith.cmpi sge, %parallel_loop3A_141, %parallel_loop3A_143 : vector<16xi32>
        %parallel_loop3A_145 = arith.constant 128 : i32
        %parallel_loop3A_146 = vector.broadcast %parallel_loop3A_145 : i32 to vector<16xi32>
        %parallel_loop3A_147 = arith.cmpi slt, %parallel_loop3A_141, %parallel_loop3A_146 : vector<16xi32>
        %parallel_loop3A_148 = arith.andi %parallel_loop3A_144, %parallel_loop3A_147 : vector<16xi1>
        tpu.vector_store_idx %arg4[%parallel_loop3A_141, %parallel_loop3A_131], %broadcast_in_dim3A_1 masked %parallel_loop3A_148 {add = true} : memref<128x512xf32, #tpu.memory_space<vmem>>[vector<16xi32>, vector<16xi32>], vector<16xf32>, vector<16xi1>
      } {sc.loop_unroll_factor = 4 : i64, sc.parallel_access}
      "tpu.region"() ({
        %run_scoped3A = tpu.sem_alloc : memref<!tpu.dma_semaphore, #tpu.memory_space<semaphore_mem>>
        %dma_start3A_123 = arith.constant 0 : i32
        %dma_start3A_124 = tpu.memref_slice %arg3[%select_n3A_77, %mul3A_94, %dma_start3A_123] : memref<20x512x512xf32, #tpu.memory_space<hbm>> -> memref<1x128x512xf32, #tpu.memory_space<hbm>>
        %dma_start3A_125 = tpu.memref_squeeze %dma_start3A_124 : memref<1x128x512xf32, #tpu.memory_space<hbm>> -> memref<128x512xf32, #tpu.memory_space<hbm>>
        %dma_start3A_126 = arith.constant 0 : i32
        %dma_start3A_127 = tpu.memref_slice %arg3[%select_n3A_77, %mul3A_94, %dma_start3A_126] : memref<20x512x512xf32, #tpu.memory_space<hbm>> -> memref<1x128x512xf32, #tpu.memory_space<hbm>>
        %dma_start3A_128 = tpu.memref_squeeze %dma_start3A_127 : memref<1x128x512xf32, #tpu.memory_space<hbm>> -> memref<128x512xf32, #tpu.memory_space<hbm>>
        tpu.enqueue_dma source(%arg4 : memref<128x512xf32, #tpu.memory_space<vmem>>) target(%dma_start3A_128 : memref<128x512xf32, #tpu.memory_space<hbm>>) target_semaphore(%run_scoped3A : memref<!tpu.dma_semaphore, #tpu.memory_space<semaphore_mem>>)
        %dma_wait3A_129 = arith.constant 0 : i32
        %dma_wait3A_130 = tpu.memref_slice %arg3[%select_n3A_77, %mul3A_94, %dma_wait3A_129] : memref<20x512x512xf32, #tpu.memory_space<hbm>> -> memref<1x128x512xf32, #tpu.memory_space<hbm>>
        %dma_wait3A_131 = tpu.memref_squeeze %dma_wait3A_130 : memref<1x128x512xf32, #tpu.memory_space<hbm>> -> memref<128x512xf32, #tpu.memory_space<hbm>>
        %dma_wait3A_132 = arith.constant 0 : i32
        %dma_wait3A_133 = tpu.memref_slice %arg3[%select_n3A_77, %mul3A_94, %dma_wait3A_132] : memref<20x512x512xf32, #tpu.memory_space<hbm>> -> memref<1x128x512xf32, #tpu.memory_space<hbm>>
        %dma_wait3A_134 = tpu.memref_squeeze %dma_wait3A_133 : memref<1x128x512xf32, #tpu.memory_space<hbm>> -> memref<128x512xf32, #tpu.memory_space<hbm>>
        tpu.wait_dma2 semaphore(%run_scoped3A : memref<!tpu.dma_semaphore, #tpu.memory_space<semaphore_mem>>) src(%arg4 : memref<128x512xf32, #tpu.memory_space<vmem>>) dst(%dma_wait3A_134 : memref<128x512xf32, #tpu.memory_space<hbm>>)
        tpu.yield
      }) : () -> ()
    } else {
    }
    %add3A_40 = arith.constant 32 : i32
    %add3A_41 = arith.addi %add3A, %add3A_40 : i32
    %lt3A_42 = arith.constant 80 : i32
    %lt3A_43 = arith.cmpi slt, %add3A_41, %lt3A_42 : i32
    %convert_element_type3A_44 = arith.extui %lt3A_43 : i1 to i32
    %cond3A_45 = arith.constant 0 : i32
    %cond3A_46 = arith.cmpi ne, %convert_element_type3A_44, %cond3A_45 : i32
    scf.if %cond3A_46 {
      %jit3A_54 = arith.constant 4 : i32
      %div3A_55 = arith.divsi %add3A_41, %jit3A_54 : i32
      %sign3A_56 = arith.constant 0 : i32
      %sign3A_57 = arith.cmpi sgt, %add3A_41, %sign3A_56 : i32
      %sign3A_58 = arith.extui %sign3A_57 : i1 to i32
      %sign3A_59 = arith.constant 0 : i32
      %sign3A_60 = arith.cmpi slt, %add3A_41, %sign3A_59 : i32
      %sign3A_61 = arith.extui %sign3A_60 : i1 to i32
      %sign3A_62 = arith.subi %sign3A_58, %sign3A_61 : i32
      %sign3A_63 = arith.constant 0 : i32
      %sign3A_64 = arith.cmpi sgt, %jit3A_54, %sign3A_63 : i32
      %sign3A_65 = arith.extui %sign3A_64 : i1 to i32
      %sign3A_66 = arith.constant 0 : i32
      %sign3A_67 = arith.cmpi slt, %jit3A_54, %sign3A_66 : i32
      %sign3A_68 = arith.extui %sign3A_67 : i1 to i32
      %sign3A_69 = arith.subi %sign3A_65, %sign3A_68 : i32
      %ne3A_70 = arith.cmpi ne, %sign3A_62, %sign3A_69 : i32
      %rem3A_71 = arith.remsi %add3A_41, %jit3A_54 : i32
      %ne3A_72 = arith.constant 0 : i32
      %ne3A_73 = arith.cmpi ne, %rem3A_71, %ne3A_72 : i32
      %and3A_74 = arith.andi %ne3A_70, %ne3A_73 : i1
      %sub3A_75 = arith.constant 1 : i32
      %sub3A_76 = arith.subi %div3A_55, %sub3A_75 : i32
      %select_n3A_77 = arith.select %and3A_74, %sub3A_76, %div3A_55 : i32
      %jit3A_78 = arith.constant 4 : i32
      %eq3A = arith.constant 0 : i32
      %eq3A_79 = arith.cmpi eq, %jit3A_78, %eq3A : i32
      %jit3A_80 = arith.constant 1 : i32
      %select_n3A_81 = arith.select %eq3A_79, %jit3A_80, %jit3A_78 : i32
      %rem3A_82 = arith.remsi %add3A_41, %select_n3A_81 : i32
      %ne3A_83 = arith.constant 0 : i32
      %ne3A_84 = arith.cmpi ne, %rem3A_82, %ne3A_83 : i32
      %lt3A_85 = arith.constant 0 : i32
      %lt3A_86 = arith.cmpi slt, %rem3A_82, %lt3A_85 : i32
      %lt3A_87 = arith.constant 0 : i32
      %lt3A_88 = arith.cmpi slt, %select_n3A_81, %lt3A_87 : i32
      %ne3A_89 = arith.xori %lt3A_86, %lt3A_88 : i1
      %and3A_90 = arith.andi %ne3A_89, %ne3A_84 : i1
      %add3A_91 = arith.addi %rem3A_82, %select_n3A_81 : i32
      %select_n3A_92 = arith.select %and3A_90, %add3A_91, %rem3A_82 : i32
      %mul3A_93 = arith.constant 128 : i32
      %mul3A_94 = arith.muli %select_n3A_92, %mul3A_93 : i32
      %dma_wait3A = arith.constant 1 : i32
      %dma_wait3A_95 = arith.constant 0 : i32
      %dma_wait3A_96 = arith.constant 0 : i32
      %dma_wait3A_97 = tpu.memref_slice %arg5[%dma_wait3A, %dma_wait3A_95, %dma_wait3A_96] : memref<2x2x16000xi32, #tpu.memory_space<vmem>> -> memref<1x2x16000xi32, #tpu.memory_space<vmem>>
      %dma_wait3A_98 = tpu.memref_squeeze %dma_wait3A_97 : memref<1x2x16000xi32, #tpu.memory_space<vmem>> -> memref<2x16000xi32, #tpu.memory_space<vmem>>
      %dma_wait3A_99 = arith.constant 0 : i32
      %dma_wait3A_100 = arith.constant 0 : i32
      %dma_wait3A_101 = tpu.memref_slice %arg2[%select_n3A_77, %dma_wait3A_99, %dma_wait3A_100] : memref<20x2x16000xi32, #tpu.memory_space<hbm>> -> memref<1x2x16000xi32, #tpu.memory_space<hbm>>
      %dma_wait3A_102 = tpu.memref_squeeze %dma_wait3A_101 : memref<1x2x16000xi32, #tpu.memory_space<hbm>> -> memref<2x16000xi32, #tpu.memory_space<hbm>>
      %dma_wait3A_103 = arith.constant 0 : i32
      %dma_wait3A_104 = arith.constant 0 : i32
      %dma_wait3A_105 = tpu.memref_slice %arg5[%dma_wait3A, %dma_wait3A_103, %dma_wait3A_104] : memref<2x2x16000xi32, #tpu.memory_space<vmem>> -> memref<1x2x16000xi32, #tpu.memory_space<vmem>>
      %dma_wait3A_106 = tpu.memref_squeeze %dma_wait3A_105 : memref<1x2x16000xi32, #tpu.memory_space<vmem>> -> memref<2x16000xi32, #tpu.memory_space<vmem>>
      %dma_wait3A_107 = arith.constant 0 : i32
      %dma_wait3A_108 = arith.constant 0 : i32
      %dma_wait3A_109 = tpu.memref_slice %arg2[%select_n3A_77, %dma_wait3A_107, %dma_wait3A_108] : memref<20x2x16000xi32, #tpu.memory_space<hbm>> -> memref<1x2x16000xi32, #tpu.memory_space<hbm>>
      %dma_wait3A_110 = tpu.memref_squeeze %dma_wait3A_109 : memref<1x2x16000xi32, #tpu.memory_space<hbm>> -> memref<2x16000xi32, #tpu.memory_space<hbm>>
      tpu.wait_dma2 semaphore(%arg7 : memref<!tpu.dma_semaphore, #tpu.memory_space<semaphore_mem>>) src(%dma_wait3A_110 : memref<2x16000xi32, #tpu.memory_space<hbm>>) dst(%dma_wait3A_106 : memref<2x16000xi32, #tpu.memory_space<vmem>>)
      %add3A_111 = arith.constant 32 : i32
      %add3A_112 = arith.addi %add3A_41, %add3A_111 : i32
      %lt3A_113 = arith.constant 80 : i32
      %lt3A_114 = arith.cmpi slt, %add3A_112, %lt3A_113 : i32
      %convert_element_type3A_115 = arith.extui %lt3A_114 : i1 to i32
      %cond3A_116 = arith.constant 0 : i32
      %cond3A_117 = arith.cmpi ne, %convert_element_type3A_115, %cond3A_116 : i32
      scf.if %cond3A_117 {
        %jit3A_123 = arith.constant 4 : i32
        %div3A_124 = arith.divsi %add3A_112, %jit3A_123 : i32
        %sign3A_125 = arith.constant 0 : i32
        %sign3A_126 = arith.cmpi sgt, %add3A_112, %sign3A_125 : i32
        %sign3A_127 = arith.extui %sign3A_126 : i1 to i32
        %sign3A_128 = arith.constant 0 : i32
        %sign3A_129 = arith.cmpi slt, %add3A_112, %sign3A_128 : i32
        %sign3A_130 = arith.extui %sign3A_129 : i1 to i32
        %sign3A_131 = arith.subi %sign3A_127, %sign3A_130 : i32
        %sign3A_132 = arith.constant 0 : i32
        %sign3A_133 = arith.cmpi sgt, %jit3A_123, %sign3A_132 : i32
        %sign3A_134 = arith.extui %sign3A_133 : i1 to i32
        %sign3A_135 = arith.constant 0 : i32
        %sign3A_136 = arith.cmpi slt, %jit3A_123, %sign3A_135 : i32
        %sign3A_137 = arith.extui %sign3A_136 : i1 to i32
        %sign3A_138 = arith.subi %sign3A_134, %sign3A_137 : i32
        %ne3A_139 = arith.cmpi ne, %sign3A_131, %sign3A_138 : i32
        %rem3A_140 = arith.remsi %add3A_112, %jit3A_123 : i32
        %ne3A_141 = arith.constant 0 : i32
        %ne3A_142 = arith.cmpi ne, %rem3A_140, %ne3A_141 : i32
        %and3A_143 = arith.andi %ne3A_139, %ne3A_142 : i1
        %sub3A_144 = arith.constant 1 : i32
        %sub3A_145 = arith.subi %div3A_124, %sub3A_144 : i32
        %select_n3A_146 = arith.select %and3A_143, %sub3A_145, %div3A_124 : i32
        %dma_start3A_147 = arith.constant 0 : i32
        %dma_start3A_148 = arith.constant 0 : i32
        %dma_start3A_149 = arith.constant 0 : i32
        %dma_start3A_150 = tpu.memref_slice %arg5[%dma_start3A_147, %dma_start3A_148, %dma_start3A_149] : memref<2x2x16000xi32, #tpu.memory_space<vmem>> -> memref<1x2x16000xi32, #tpu.memory_space<vmem>>
        %dma_start3A_151 = tpu.memref_squeeze %dma_start3A_150 : memref<1x2x16000xi32, #tpu.memory_space<vmem>> -> memref<2x16000xi32, #tpu.memory_space<vmem>>
        %dma_start3A_152 = arith.constant 0 : i32
        %dma_start3A_153 = arith.constant 0 : i32
        %dma_start3A_154 = tpu.memref_slice %arg2[%select_n3A_146, %dma_start3A_152, %dma_start3A_153] : memref<20x2x16000xi32, #tpu.memory_space<hbm>> -> memref<1x2x16000xi32, #tpu.memory_space<hbm>>
        %dma_start3A_155 = tpu.memref_squeeze %dma_start3A_154 : memref<1x2x16000xi32, #tpu.memory_space<hbm>> -> memref<2x16000xi32, #tpu.memory_space<hbm>>
        %dma_start3A_156 = arith.constant 0 : i32
        %dma_start3A_157 = arith.constant 0 : i32
        %dma_start3A_158 = tpu.memref_slice %arg5[%dma_start3A_147, %dma_start3A_156, %dma_start3A_157] : memref<2x2x16000xi32, #tpu.memory_space<vmem>> -> memref<1x2x16000xi32, #tpu.memory_space<vmem>>
        %dma_start3A_159 = tpu.memref_squeeze %dma_start3A_158 : memref<1x2x16000xi32, #tpu.memory_space<vmem>> -> memref<2x16000xi32, #tpu.memory_space<vmem>>
        %dma_start3A_160 = arith.constant 0 : i32
        %dma_start3A_161 = arith.constant 0 : i32
        %dma_start3A_162 = tpu.memref_slice %arg2[%select_n3A_146, %dma_start3A_160, %dma_start3A_161] : memref<20x2x16000xi32, #tpu.memory_space<hbm>> -> memref<1x2x16000xi32, #tpu.memory_space<hbm>>
        %dma_start3A_163 = tpu.memref_squeeze %dma_start3A_162 : memref<1x2x16000xi32, #tpu.memory_space<hbm>> -> memref<2x16000xi32, #tpu.memory_space<hbm>>
        tpu.enqueue_dma source(%dma_start3A_163 : memref<2x16000xi32, #tpu.memory_space<hbm>>) target(%dma_start3A_159 : memref<2x16000xi32, #tpu.memory_space<vmem>>) target_semaphore(%arg6 : memref<!tpu.dma_semaphore, #tpu.memory_space<semaphore_mem>>)
      } else {
      }
      %parallel_loop3A = arith.constant 0 : i32
      %parallel_loop3A_118 = arith.constant 128 : i32
      %parallel_loop3A_119 = arith.constant 1 : i32
      scf.for %parallel_loop3A_123 = %parallel_loop3A to %parallel_loop3A_118 step %parallel_loop3A_119  : i32 {
        %parallel_loop3A_124 = arith.index_cast %parallel_loop3A_123 : i32 to index
        %parallel_loop3A_125 = arith.constant 0 : index
        %parallel_loop3A_126 = tpu.vector_load %arg4[%parallel_loop3A_124, %parallel_loop3A_125] {strides = array<i32>} : memref<128x512xf32, #tpu.memory_space<vmem>>, vector<16xf32>,
        tpu.vector_store %arg4[%parallel_loop3A_124, %parallel_loop3A_125], %broadcast_in_dim3A_3 {strides = array<i32>} : memref<128x512xf32, #tpu.memory_space<vmem>>, vector<16xf32>,
        %parallel_loop3A_127 = arith.index_cast %parallel_loop3A_123 : i32 to index
        %parallel_loop3A_128 = arith.constant 16 : index
        %parallel_loop3A_129 = tpu.vector_load %arg4[%parallel_loop3A_127, %parallel_loop3A_128] {strides = array<i32>} : memref<128x512xf32, #tpu.memory_space<vmem>>, vector<16xf32>,
        tpu.vector_store %arg4[%parallel_loop3A_127, %parallel_loop3A_128], %broadcast_in_dim3A_3 {strides = array<i32>} : memref<128x512xf32, #tpu.memory_space<vmem>>, vector<16xf32>,
        %parallel_loop3A_130 = arith.index_cast %parallel_loop3A_123 : i32 to index
        %parallel_loop3A_131 = arith.constant 32 : index
        %parallel_loop3A_132 = tpu.vector_load %arg4[%parallel_loop3A_130, %parallel_loop3A_131] {strides = array<i32>} : memref<128x512xf32, #tpu.memory_space<vmem>>, vector<16xf32>,
        tpu.vector_store %arg4[%parallel_loop3A_130, %parallel_loop3A_131], %broadcast_in_dim3A_3 {strides = array<i32>} : memref<128x512xf32, #tpu.memory_space<vmem>>, vector<16xf32>,
        %parallel_loop3A_133 = arith.index_cast %parallel_loop3A_123 : i32 to index
        %parallel_loop3A_134 = arith.constant 48 : index
        %parallel_loop3A_135 = tpu.vector_load %arg4[%parallel_loop3A_133, %parallel_loop3A_134] {strides = array<i32>} : memref<128x512xf32, #tpu.memory_space<vmem>>, vector<16xf32>,
        tpu.vector_store %arg4[%parallel_loop3A_133, %parallel_loop3A_134], %broadcast_in_dim3A_3 {strides = array<i32>} : memref<128x512xf32, #tpu.memory_space<vmem>>, vector<16xf32>,
        %parallel_loop3A_136 = arith.index_cast %parallel_loop3A_123 : i32 to index
        %parallel_loop3A_137 = arith.constant 64 : index
        %parallel_loop3A_138 = tpu.vector_load %arg4[%parallel_loop3A_136, %parallel_loop3A_137] {strides = array<i32>} : memref<128x512xf32, #tpu.memory_space<vmem>>, vector<16xf32>,
        tpu.vector_store %arg4[%parallel_loop3A_136, %parallel_loop3A_137], %broadcast_in_dim3A_3 {strides = array<i32>} : memref<128x512xf32, #tpu.memory_space<vmem>>, vector<16xf32>,
        %parallel_loop3A_139 = arith.index_cast %parallel_loop3A_123 : i32 to index
        %parallel_loop3A_140 = arith.constant 80 : index
        %parallel_loop3A_141 = tpu.vector_load %arg4[%parallel_loop3A_139, %parallel_loop3A_140] {strides = array<i32>} : memref<128x512xf32, #tpu.memory_space<vmem>>, vector<16xf32>,
        tpu.vector_store %arg4[%parallel_loop3A_139, %parallel_loop3A_140], %broadcast_in_dim3A_3 {strides = array<i32>} : memref<128x512xf32, #tpu.memory_space<vmem>>, vector<16xf32>,
        %parallel_loop3A_142 = arith.index_cast %parallel_loop3A_123 : i32 to index
        %parallel_loop3A_143 = arith.constant 96 : index
        %parallel_loop3A_144 = tpu.vector_load %arg4[%parallel_loop3A_142, %parallel_loop3A_143] {strides = array<i32>} : memref<128x512xf32, #tpu.memory_space<vmem>>, vector<16xf32>,
        tpu.vector_store %arg4[%parallel_loop3A_142, %parallel_loop3A_143], %broadcast_in_dim3A_3 {strides = array<i32>} : memref<128x512xf32, #tpu.memory_space<vmem>>, vector<16xf32>,
        %parallel_loop3A_145 = arith.index_cast %parallel_loop3A_123 : i32 to index
        %parallel_loop3A_146 = arith.constant 112 : index
        %parallel_loop3A_147 = tpu.vector_load %arg4[%parallel_loop3A_145, %parallel_loop3A_146] {strides = array<i32>} : memref<128x512xf32, #tpu.memory_space<vmem>>, vector<16xf32>,
        tpu.vector_store %arg4[%parallel_loop3A_145, %parallel_loop3A_146], %broadcast_in_dim3A_3 {strides = array<i32>} : memref<128x512xf32, #tpu.memory_space<vmem>>, vector<16xf32>,
        %parallel_loop3A_148 = arith.index_cast %parallel_loop3A_123 : i32 to index
        %parallel_loop3A_149 = arith.constant 128 : index
        %parallel_loop3A_150 = tpu.vector_load %arg4[%parallel_loop3A_148, %parallel_loop3A_149] {strides = array<i32>} : memref<128x512xf32, #tpu.memory_space<vmem>>, vector<16xf32>,
        tpu.vector_store %arg4[%parallel_loop3A_148, %parallel_loop3A_149], %broadcast_in_dim3A_3 {strides = array<i32>} : memref<128x512xf32, #tpu.memory_space<vmem>>, vector<16xf32>,
        %parallel_loop3A_151 = arith.index_cast %parallel_loop3A_123 : i32 to index
        %parallel_loop3A_152 = arith.constant 144 : index
        %parallel_loop3A_153 = tpu.vector_load %arg4[%parallel_loop3A_151, %parallel_loop3A_152] {strides = array<i32>} : memref<128x512xf32, #tpu.memory_space<vmem>>, vector<16xf32>,
        tpu.vector_store %arg4[%parallel_loop3A_151, %parallel_loop3A_152], %broadcast_in_dim3A_3 {strides = array<i32>} : memref<128x512xf32, #tpu.memory_space<vmem>>, vector<16xf32>,
        %parallel_loop3A_154 = arith.index_cast %parallel_loop3A_123 : i32 to index
        %parallel_loop3A_155 = arith.constant 160 : index
        %parallel_loop3A_156 = tpu.vector_load %arg4[%parallel_loop3A_154, %parallel_loop3A_155] {strides = array<i32>} : memref<128x512xf32, #tpu.memory_space<vmem>>, vector<16xf32>,
        tpu.vector_store %arg4[%parallel_loop3A_154, %parallel_loop3A_155], %broadcast_in_dim3A_3 {strides = array<i32>} : memref<128x512xf32, #tpu.memory_space<vmem>>, vector<16xf32>,
        %parallel_loop3A_157 = arith.index_cast %parallel_loop3A_123 : i32 to index
        %parallel_loop3A_158 = arith.constant 176 : index
        %parallel_loop3A_159 = tpu.vector_load %arg4[%parallel_loop3A_157, %parallel_loop3A_158] {strides = array<i32>} : memref<128x512xf32, #tpu.memory_space<vmem>>, vector<16xf32>,
        tpu.vector_store %arg4[%parallel_loop3A_157, %parallel_loop3A_158], %broadcast_in_dim3A_3 {strides = array<i32>} : memref<128x512xf32, #tpu.memory_space<vmem>>, vector<16xf32>,
        %parallel_loop3A_160 = arith.index_cast %parallel_loop3A_123 : i32 to index
        %parallel_loop3A_161 = arith.constant 192 : index
        %parallel_loop3A_162 = tpu.vector_load %arg4[%parallel_loop3A_160, %parallel_loop3A_161] {strides = array<i32>} : memref<128x512xf32, #tpu.memory_space<vmem>>, vector<16xf32>,
        tpu.vector_store %arg4[%parallel_loop3A_160, %parallel_loop3A_161], %broadcast_in_dim3A_3 {strides = array<i32>} : memref<128x512xf32, #tpu.memory_space<vmem>>, vector<16xf32>,
        %parallel_loop3A_163 = arith.index_cast %parallel_loop3A_123 : i32 to index
        %parallel_loop3A_164 = arith.constant 208 : index
        %parallel_loop3A_165 = tpu.vector_load %arg4[%parallel_loop3A_163, %parallel_loop3A_164] {strides = array<i32>} : memref<128x512xf32, #tpu.memory_space<vmem>>, vector<16xf32>,
        tpu.vector_store %arg4[%parallel_loop3A_163, %parallel_loop3A_164], %broadcast_in_dim3A_3 {strides = array<i32>} : memref<128x512xf32, #tpu.memory_space<vmem>>, vector<16xf32>,
        %parallel_loop3A_166 = arith.index_cast %parallel_loop3A_123 : i32 to index
        %parallel_loop3A_167 = arith.constant 224 : index
        %parallel_loop3A_168 = tpu.vector_load %arg4[%parallel_loop3A_166, %parallel_loop3A_167] {strides = array<i32>} : memref<128x512xf32, #tpu.memory_space<vmem>>, vector<16xf32>,
        tpu.vector_store %arg4[%parallel_loop3A_166, %parallel_loop3A_167], %broadcast_in_dim3A_3 {strides = array<i32>} : memref<128x512xf32, #tpu.memory_space<vmem>>, vector<16xf32>,
        %parallel_loop3A_169 = arith.index_cast %parallel_loop3A_123 : i32 to index
        %parallel_loop3A_170 = arith.constant 240 : index
        %parallel_loop3A_171 = tpu.vector_load %arg4[%parallel_loop3A_169, %parallel_loop3A_170] {strides = array<i32>} : memref<128x512xf32, #tpu.memory_space<vmem>>, vector<16xf32>,
        tpu.vector_store %arg4[%parallel_loop3A_169, %parallel_loop3A_170], %broadcast_in_dim3A_3 {strides = array<i32>} : memref<128x512xf32, #tpu.memory_space<vmem>>, vector<16xf32>,
        %parallel_loop3A_172 = arith.index_cast %parallel_loop3A_123 : i32 to index
        %parallel_loop3A_173 = arith.constant 256 : index
        %parallel_loop3A_174 = tpu.vector_load %arg4[%parallel_loop3A_172, %parallel_loop3A_173] {strides = array<i32>} : memref<128x512xf32, #tpu.memory_space<vmem>>, vector<16xf32>,
        tpu.vector_store %arg4[%parallel_loop3A_172, %parallel_loop3A_173], %broadcast_in_dim3A_3 {strides = array<i32>} : memref<128x512xf32, #tpu.memory_space<vmem>>, vector<16xf32>,
        %parallel_loop3A_175 = arith.index_cast %parallel_loop3A_123 : i32 to index
        %parallel_loop3A_176 = arith.constant 272 : index
        %parallel_loop3A_177 = tpu.vector_load %arg4[%parallel_loop3A_175, %parallel_loop3A_176] {strides = array<i32>} : memref<128x512xf32, #tpu.memory_space<vmem>>, vector<16xf32>,
        tpu.vector_store %arg4[%parallel_loop3A_175, %parallel_loop3A_176], %broadcast_in_dim3A_3 {strides = array<i32>} : memref<128x512xf32, #tpu.memory_space<vmem>>, vector<16xf32>,
        %parallel_loop3A_178 = arith.index_cast %parallel_loop3A_123 : i32 to index
        %parallel_loop3A_179 = arith.constant 288 : index
        %parallel_loop3A_180 = tpu.vector_load %arg4[%parallel_loop3A_178, %parallel_loop3A_179] {strides = array<i32>} : memref<128x512xf32, #tpu.memory_space<vmem>>, vector<16xf32>,
        tpu.vector_store %arg4[%parallel_loop3A_178, %parallel_loop3A_179], %broadcast_in_dim3A_3 {strides = array<i32>} : memref<128x512xf32, #tpu.memory_space<vmem>>, vector<16xf32>,
        %parallel_loop3A_181 = arith.index_cast %parallel_loop3A_123 : i32 to index
        %parallel_loop3A_182 = arith.constant 304 : index
        %parallel_loop3A_183 = tpu.vector_load %arg4[%parallel_loop3A_181, %parallel_loop3A_182] {strides = array<i32>} : memref<128x512xf32, #tpu.memory_space<vmem>>, vector<16xf32>,
        tpu.vector_store %arg4[%parallel_loop3A_181, %parallel_loop3A_182], %broadcast_in_dim3A_3 {strides = array<i32>} : memref<128x512xf32, #tpu.memory_space<vmem>>, vector<16xf32>,
        %parallel_loop3A_184 = arith.index_cast %parallel_loop3A_123 : i32 to index
        %parallel_loop3A_185 = arith.constant 320 : index
        %parallel_loop3A_186 = tpu.vector_load %arg4[%parallel_loop3A_184, %parallel_loop3A_185] {strides = array<i32>} : memref<128x512xf32, #tpu.memory_space<vmem>>, vector<16xf32>,
        tpu.vector_store %arg4[%parallel_loop3A_184, %parallel_loop3A_185], %broadcast_in_dim3A_3 {strides = array<i32>} : memref<128x512xf32, #tpu.memory_space<vmem>>, vector<16xf32>,
        %parallel_loop3A_187 = arith.index_cast %parallel_loop3A_123 : i32 to index
        %parallel_loop3A_188 = arith.constant 336 : index
        %parallel_loop3A_189 = tpu.vector_load %arg4[%parallel_loop3A_187, %parallel_loop3A_188] {strides = array<i32>} : memref<128x512xf32, #tpu.memory_space<vmem>>, vector<16xf32>,
        tpu.vector_store %arg4[%parallel_loop3A_187, %parallel_loop3A_188], %broadcast_in_dim3A_3 {strides = array<i32>} : memref<128x512xf32, #tpu.memory_space<vmem>>, vector<16xf32>,
        %parallel_loop3A_190 = arith.index_cast %parallel_loop3A_123 : i32 to index
        %parallel_loop3A_191 = arith.constant 352 : index
        %parallel_loop3A_192 = tpu.vector_load %arg4[%parallel_loop3A_190, %parallel_loop3A_191] {strides = array<i32>} : memref<128x512xf32, #tpu.memory_space<vmem>>, vector<16xf32>,
        tpu.vector_store %arg4[%parallel_loop3A_190, %parallel_loop3A_191], %broadcast_in_dim3A_3 {strides = array<i32>} : memref<128x512xf32, #tpu.memory_space<vmem>>, vector<16xf32>,
        %parallel_loop3A_193 = arith.index_cast %parallel_loop3A_123 : i32 to index
        %parallel_loop3A_194 = arith.constant 368 : index
        %parallel_loop3A_195 = tpu.vector_load %arg4[%parallel_loop3A_193, %parallel_loop3A_194] {strides = array<i32>} : memref<128x512xf32, #tpu.memory_space<vmem>>, vector<16xf32>,
        tpu.vector_store %arg4[%parallel_loop3A_193, %parallel_loop3A_194], %broadcast_in_dim3A_3 {strides = array<i32>} : memref<128x512xf32, #tpu.memory_space<vmem>>, vector<16xf32>,
        %parallel_loop3A_196 = arith.index_cast %parallel_loop3A_123 : i32 to index
        %parallel_loop3A_197 = arith.constant 384 : index
        %parallel_loop3A_198 = tpu.vector_load %arg4[%parallel_loop3A_196, %parallel_loop3A_197] {strides = array<i32>} : memref<128x512xf32, #tpu.memory_space<vmem>>, vector<16xf32>,
        tpu.vector_store %arg4[%parallel_loop3A_196, %parallel_loop3A_197], %broadcast_in_dim3A_3 {strides = array<i32>} : memref<128x512xf32, #tpu.memory_space<vmem>>, vector<16xf32>,
        %parallel_loop3A_199 = arith.index_cast %parallel_loop3A_123 : i32 to index
        %parallel_loop3A_200 = arith.constant 400 : index
        %parallel_loop3A_201 = tpu.vector_load %arg4[%parallel_loop3A_199, %parallel_loop3A_200] {strides = array<i32>} : memref<128x512xf32, #tpu.memory_space<vmem>>, vector<16xf32>,
        tpu.vector_store %arg4[%parallel_loop3A_199, %parallel_loop3A_200], %broadcast_in_dim3A_3 {strides = array<i32>} : memref<128x512xf32, #tpu.memory_space<vmem>>, vector<16xf32>,
        %parallel_loop3A_202 = arith.index_cast %parallel_loop3A_123 : i32 to index
        %parallel_loop3A_203 = arith.constant 416 : index
        %parallel_loop3A_204 = tpu.vector_load %arg4[%parallel_loop3A_202, %parallel_loop3A_203] {strides = array<i32>} : memref<128x512xf32, #tpu.memory_space<vmem>>, vector<16xf32>,
        tpu.vector_store %arg4[%parallel_loop3A_202, %parallel_loop3A_203], %broadcast_in_dim3A_3 {strides = array<i32>} : memref<128x512xf32, #tpu.memory_space<vmem>>, vector<16xf32>,
        %parallel_loop3A_205 = arith.index_cast %parallel_loop3A_123 : i32 to index
        %parallel_loop3A_206 = arith.constant 432 : index
        %parallel_loop3A_207 = tpu.vector_load %arg4[%parallel_loop3A_205, %parallel_loop3A_206] {strides = array<i32>} : memref<128x512xf32, #tpu.memory_space<vmem>>, vector<16xf32>,
        tpu.vector_store %arg4[%parallel_loop3A_205, %parallel_loop3A_206], %broadcast_in_dim3A_3 {strides = array<i32>} : memref<128x512xf32, #tpu.memory_space<vmem>>, vector<16xf32>,
        %parallel_loop3A_208 = arith.index_cast %parallel_loop3A_123 : i32 to index
        %parallel_loop3A_209 = arith.constant 448 : index
        %parallel_loop3A_210 = tpu.vector_load %arg4[%parallel_loop3A_208, %parallel_loop3A_209] {strides = array<i32>} : memref<128x512xf32, #tpu.memory_space<vmem>>, vector<16xf32>,
        tpu.vector_store %arg4[%parallel_loop3A_208, %parallel_loop3A_209], %broadcast_in_dim3A_3 {strides = array<i32>} : memref<128x512xf32, #tpu.memory_space<vmem>>, vector<16xf32>,
        %parallel_loop3A_211 = arith.index_cast %parallel_loop3A_123 : i32 to index
        %parallel_loop3A_212 = arith.constant 464 : index
        %parallel_loop3A_213 = tpu.vector_load %arg4[%parallel_loop3A_211, %parallel_loop3A_212] {strides = array<i32>} : memref<128x512xf32, #tpu.memory_space<vmem>>, vector<16xf32>,
        tpu.vector_store %arg4[%parallel_loop3A_211, %parallel_loop3A_212], %broadcast_in_dim3A_3 {strides = array<i32>} : memref<128x512xf32, #tpu.memory_space<vmem>>, vector<16xf32>,
        %parallel_loop3A_214 = arith.index_cast %parallel_loop3A_123 : i32 to index
        %parallel_loop3A_215 = arith.constant 480 : index
        %parallel_loop3A_216 = tpu.vector_load %arg4[%parallel_loop3A_214, %parallel_loop3A_215] {strides = array<i32>} : memref<128x512xf32, #tpu.memory_space<vmem>>, vector<16xf32>,
        tpu.vector_store %arg4[%parallel_loop3A_214, %parallel_loop3A_215], %broadcast_in_dim3A_3 {strides = array<i32>} : memref<128x512xf32, #tpu.memory_space<vmem>>, vector<16xf32>,
        %parallel_loop3A_217 = arith.index_cast %parallel_loop3A_123 : i32 to index
        %parallel_loop3A_218 = arith.constant 496 : index
        %parallel_loop3A_219 = tpu.vector_load %arg4[%parallel_loop3A_217, %parallel_loop3A_218] {strides = array<i32>} : memref<128x512xf32, #tpu.memory_space<vmem>>, vector<16xf32>,
        tpu.vector_store %arg4[%parallel_loop3A_217, %parallel_loop3A_218], %broadcast_in_dim3A_3 {strides = array<i32>} : memref<128x512xf32, #tpu.memory_space<vmem>>, vector<16xf32>,
      } {sc.loop_unroll_factor = 2 : i64, sc.parallel_access}
      %parallel_loop3A_120 = arith.constant 0 : i32
      %parallel_loop3A_121 = arith.constant 1000 : i32
      %parallel_loop3A_122 = arith.constant 1 : i32
      scf.for %parallel_loop3A_123 = %parallel_loop3A_120 to %parallel_loop3A_121 step %parallel_loop3A_122  : i32 {
        %parallel_loop3A_124 = arith.constant 16 : i32
        %parallel_loop3A_125 = arith.muli %parallel_loop3A_123, %parallel_loop3A_124 : i32
        %parallel_loop3A_126 = arith.constant 1 : i32
        %parallel_loop3A_127 = arith.constant 0 : i32
        %parallel_loop3A_128 = arith.index_cast %parallel_loop3A_126 : i32 to index
        %parallel_loop3A_129 = arith.index_cast %parallel_loop3A_127 : i32 to index
        %parallel_loop3A_130 = arith.index_cast %parallel_loop3A_125 : i32 to index
        %parallel_loop3A_131 = tpu.vector_load %arg5[%parallel_loop3A_128, %parallel_loop3A_129, %parallel_loop3A_130] {strides = array<i32>} : memref<2x2x16000xi32, #tpu.memory_space<vmem>>, vector<16xi32>,
        %parallel_loop3A_132 = arith.constant 16 : i32
        %parallel_loop3A_133 = arith.muli %parallel_loop3A_123, %parallel_loop3A_132 : i32
        %parallel_loop3A_134 = arith.constant 1 : i32
        %parallel_loop3A_135 = arith.constant 1 : i32
        %parallel_loop3A_136 = arith.index_cast %parallel_loop3A_134 : i32 to index
        %parallel_loop3A_137 = arith.index_cast %parallel_loop3A_135 : i32 to index
        %parallel_loop3A_138 = arith.index_cast %parallel_loop3A_133 : i32 to index
        %parallel_loop3A_139 = tpu.vector_load %arg5[%parallel_loop3A_136, %parallel_loop3A_137, %parallel_loop3A_138] {strides = array<i32>} : memref<2x2x16000xi32, #tpu.memory_space<vmem>>, vector<16xi32>,
        %parallel_loop3A_140 = vector.broadcast %mul3A_94 : i32 to vector<16xi32>
        %parallel_loop3A_141 = arith.subi %parallel_loop3A_139, %parallel_loop3A_140 : vector<16xi32>
        %parallel_loop3A_142 = arith.constant 0 : i32
        %parallel_loop3A_143 = vector.broadcast %parallel_loop3A_142 : i32 to vector<16xi32>
        %parallel_loop3A_144 = arith.cmpi sge, %parallel_loop3A_141, %parallel_loop3A_143 : vector<16xi32>
        %parallel_loop3A_145 = arith.constant 128 : i32
        %parallel_loop3A_146 = vector.broadcast %parallel_loop3A_145 : i32 to vector<16xi32>
        %parallel_loop3A_147 = arith.cmpi slt, %parallel_loop3A_141, %parallel_loop3A_146 : vector<16xi32>
        %parallel_loop3A_148 = arith.andi %parallel_loop3A_144, %parallel_loop3A_147 : vector<16xi1>
        tpu.vector_store_idx %arg4[%parallel_loop3A_141, %parallel_loop3A_131], %broadcast_in_dim3A_1 masked %parallel_loop3A_148 {add = true} : memref<128x512xf32, #tpu.memory_space<vmem>>[vector<16xi32>, vector<16xi32>], vector<16xf32>, vector<16xi1>
      } {sc.loop_unroll_factor = 4 : i64, sc.parallel_access}
      "tpu.region"() ({
        %run_scoped3A = tpu.sem_alloc : memref<!tpu.dma_semaphore, #tpu.memory_space<semaphore_mem>>
        %dma_start3A_123 = arith.constant 0 : i32
        %dma_start3A_124 = tpu.memref_slice %arg3[%select_n3A_77, %mul3A_94, %dma_start3A_123] : memref<20x512x512xf32, #tpu.memory_space<hbm>> -> memref<1x128x512xf32, #tpu.memory_space<hbm>>
        %dma_start3A_125 = tpu.memref_squeeze %dma_start3A_124 : memref<1x128x512xf32, #tpu.memory_space<hbm>> -> memref<128x512xf32, #tpu.memory_space<hbm>>
        %dma_start3A_126 = arith.constant 0 : i32
        %dma_start3A_127 = tpu.memref_slice %arg3[%select_n3A_77, %mul3A_94, %dma_start3A_126] : memref<20x512x512xf32, #tpu.memory_space<hbm>> -> memref<1x128x512xf32, #tpu.memory_space<hbm>>
        %dma_start3A_128 = tpu.memref_squeeze %dma_start3A_127 : memref<1x128x512xf32, #tpu.memory_space<hbm>> -> memref<128x512xf32, #tpu.memory_space<hbm>>
        tpu.enqueue_dma source(%arg4 : memref<128x512xf32, #tpu.memory_space<vmem>>) target(%dma_start3A_128 : memref<128x512xf32, #tpu.memory_space<hbm>>) target_semaphore(%run_scoped3A : memref<!tpu.dma_semaphore, #tpu.memory_space<semaphore_mem>>)
        %dma_wait3A_129 = arith.constant 0 : i32
        %dma_wait3A_130 = tpu.memref_slice %arg3[%select_n3A_77, %mul3A_94, %dma_wait3A_129] : memref<20x512x512xf32, #tpu.memory_space<hbm>> -> memref<1x128x512xf32, #tpu.memory_space<hbm>>
        %dma_wait3A_131 = tpu.memref_squeeze %dma_wait3A_130 : memref<1x128x512xf32, #tpu.memory_space<hbm>> -> memref<128x512xf32, #tpu.memory_space<hbm>>
        %dma_wait3A_132 = arith.constant 0 : i32
        %dma_wait3A_133 = tpu.memref_slice %arg3[%select_n3A_77, %mul3A_94, %dma_wait3A_132] : memref<20x512x512xf32, #tpu.memory_space<hbm>> -> memref<1x128x512xf32, #tpu.memory_space<hbm>>
        %dma_wait3A_134 = tpu.memref_squeeze %dma_wait3A_133 : memref<1x128x512xf32, #tpu.memory_space<hbm>> -> memref<128x512xf32, #tpu.memory_space<hbm>>
        tpu.wait_dma2 semaphore(%run_scoped3A : memref<!tpu.dma_semaphore, #tpu.memory_space<semaphore_mem>>) src(%arg4 : memref<128x512xf32, #tpu.memory_space<vmem>>) dst(%dma_wait3A_134 : memref<128x512xf32, #tpu.memory_space<hbm>>)
        tpu.yield
      }) : () -> ()
    } else {
    }
    %add3A_47 = arith.constant 64 : i32
    %add3A_48 = arith.addi %add3A, %add3A_47 : i32
    %lt3A_49 = arith.constant 80 : i32
    %lt3A_50 = arith.cmpi slt, %add3A_48, %lt3A_49 : i32
    %convert_element_type3A_51 = arith.extui %lt3A_50 : i1 to i32
    %cond3A_52 = arith.constant 0 : i32
    %cond3A_53 = arith.cmpi ne, %convert_element_type3A_51, %cond3A_52 : i32
    scf.if %cond3A_53 {
      %jit3A_54 = arith.constant 4 : i32
      %div3A_55 = arith.divsi %add3A_48, %jit3A_54 : i32
      %sign3A_56 = arith.constant 0 : i32
      %sign3A_57 = arith.cmpi sgt, %add3A_48, %sign3A_56 : i32
      %sign3A_58 = arith.extui %sign3A_57 : i1 to i32
      %sign3A_59 = arith.constant 0 : i32
      %sign3A_60 = arith.cmpi slt, %add3A_48, %sign3A_59 : i32
      %sign3A_61 = arith.extui %sign3A_60 : i1 to i32
      %sign3A_62 = arith.subi %sign3A_58, %sign3A_61 : i32
      %sign3A_63 = arith.constant 0 : i32
      %sign3A_64 = arith.cmpi sgt, %jit3A_54, %sign3A_63 : i32
      %sign3A_65 = arith.extui %sign3A_64 : i1 to i32
      %sign3A_66 = arith.constant 0 : i32
      %sign3A_67 = arith.cmpi slt, %jit3A_54, %sign3A_66 : i32
      %sign3A_68 = arith.extui %sign3A_67 : i1 to i32
      %sign3A_69 = arith.subi %sign3A_65, %sign3A_68 : i32
      %ne3A_70 = arith.cmpi ne, %sign3A_62, %sign3A_69 : i32
      %rem3A_71 = arith.remsi %add3A_48, %jit3A_54 : i32
      %ne3A_72 = arith.constant 0 : i32
      %ne3A_73 = arith.cmpi ne, %rem3A_71, %ne3A_72 : i32
      %and3A_74 = arith.andi %ne3A_70, %ne3A_73 : i1
      %sub3A_75 = arith.constant 1 : i32
      %sub3A_76 = arith.subi %div3A_55, %sub3A_75 : i32
      %select_n3A_77 = arith.select %and3A_74, %sub3A_76, %div3A_55 : i32
      %jit3A_78 = arith.constant 4 : i32
      %eq3A = arith.constant 0 : i32
      %eq3A_79 = arith.cmpi eq, %jit3A_78, %eq3A : i32
      %jit3A_80 = arith.constant 1 : i32
      %select_n3A_81 = arith.select %eq3A_79, %jit3A_80, %jit3A_78 : i32
      %rem3A_82 = arith.remsi %add3A_48, %select_n3A_81 : i32
      %ne3A_83 = arith.constant 0 : i32
      %ne3A_84 = arith.cmpi ne, %rem3A_82, %ne3A_83 : i32
      %lt3A_85 = arith.constant 0 : i32
      %lt3A_86 = arith.cmpi slt, %rem3A_82, %lt3A_85 : i32
      %lt3A_87 = arith.constant 0 : i32
      %lt3A_88 = arith.cmpi slt, %select_n3A_81, %lt3A_87 : i32
      %ne3A_89 = arith.xori %lt3A_86, %lt3A_88 : i1
      %and3A_90 = arith.andi %ne3A_89, %ne3A_84 : i1
      %add3A_91 = arith.addi %rem3A_82, %select_n3A_81 : i32
      %select_n3A_92 = arith.select %and3A_90, %add3A_91, %rem3A_82 : i32
      %mul3A_93 = arith.constant 128 : i32
      %mul3A_94 = arith.muli %select_n3A_92, %mul3A_93 : i32
      %dma_wait3A = arith.constant 0 : i32
      %dma_wait3A_95 = arith.constant 0 : i32
      %dma_wait3A_96 = arith.constant 0 : i32
      %dma_wait3A_97 = tpu.memref_slice %arg5[%dma_wait3A, %dma_wait3A_95, %dma_wait3A_96] : memref<2x2x16000xi32, #tpu.memory_space<vmem>> -> memref<1x2x16000xi32, #tpu.memory_space<vmem>>
      %dma_wait3A_98 = tpu.memref_squeeze %dma_wait3A_97 : memref<1x2x16000xi32, #tpu.memory_space<vmem>> -> memref<2x16000xi32, #tpu.memory_space<vmem>>
      %dma_wait3A_99 = arith.constant 0 : i32
      %dma_wait3A_100 = arith.constant 0 : i32
      %dma_wait3A_101 = tpu.memref_slice %arg2[%select_n3A_77, %dma_wait3A_99, %dma_wait3A_100] : memref<20x2x16000xi32, #tpu.memory_space<hbm>> -> memref<1x2x16000xi32, #tpu.memory_space<hbm>>
      %dma_wait3A_102 = tpu.memref_squeeze %dma_wait3A_101 : memref<1x2x16000xi32, #tpu.memory_space<hbm>> -> memref<2x16000xi32, #tpu.memory_space<hbm>>
      %dma_wait3A_103 = arith.constant 0 : i32
      %dma_wait3A_104 = arith.constant 0 : i32
      %dma_wait3A_105 = tpu.memref_slice %arg5[%dma_wait3A, %dma_wait3A_103, %dma_wait3A_104] : memref<2x2x16000xi32, #tpu.memory_space<vmem>> -> memref<1x2x16000xi32, #tpu.memory_space<vmem>>
      %dma_wait3A_106 = tpu.memref_squeeze %dma_wait3A_105 : memref<1x2x16000xi32, #tpu.memory_space<vmem>> -> memref<2x16000xi32, #tpu.memory_space<vmem>>
      %dma_wait3A_107 = arith.constant 0 : i32
      %dma_wait3A_108 = arith.constant 0 : i32
      %dma_wait3A_109 = tpu.memref_slice %arg2[%select_n3A_77, %dma_wait3A_107, %dma_wait3A_108] : memref<20x2x16000xi32, #tpu.memory_space<hbm>> -> memref<1x2x16000xi32, #tpu.memory_space<hbm>>
      %dma_wait3A_110 = tpu.memref_squeeze %dma_wait3A_109 : memref<1x2x16000xi32, #tpu.memory_space<hbm>> -> memref<2x16000xi32, #tpu.memory_space<hbm>>
      tpu.wait_dma2 semaphore(%arg6 : memref<!tpu.dma_semaphore, #tpu.memory_space<semaphore_mem>>) src(%dma_wait3A_110 : memref<2x16000xi32, #tpu.memory_space<hbm>>) dst(%dma_wait3A_106 : memref<2x16000xi32, #tpu.memory_space<vmem>>)
      %parallel_loop3A = arith.constant 0 : i32
      %parallel_loop3A_111 = arith.constant 128 : i32
      %parallel_loop3A_112 = arith.constant 1 : i32
      scf.for %parallel_loop3A_116 = %parallel_loop3A to %parallel_loop3A_111 step %parallel_loop3A_112  : i32 {
        %parallel_loop3A_117 = arith.index_cast %parallel_loop3A_116 : i32 to index
        %parallel_loop3A_118 = arith.constant 0 : index
        %parallel_loop3A_119 = tpu.vector_load %arg4[%parallel_loop3A_117, %parallel_loop3A_118] {strides = array<i32>} : memref<128x512xf32, #tpu.memory_space<vmem>>, vector<16xf32>,
        tpu.vector_store %arg4[%parallel_loop3A_117, %parallel_loop3A_118], %broadcast_in_dim3A_3 {strides = array<i32>} : memref<128x512xf32, #tpu.memory_space<vmem>>, vector<16xf32>,
        %parallel_loop3A_120 = arith.index_cast %parallel_loop3A_116 : i32 to index
        %parallel_loop3A_121 = arith.constant 16 : index
        %parallel_loop3A_122 = tpu.vector_load %arg4[%parallel_loop3A_120, %parallel_loop3A_121] {strides = array<i32>} : memref<128x512xf32, #tpu.memory_space<vmem>>, vector<16xf32>,
        tpu.vector_store %arg4[%parallel_loop3A_120, %parallel_loop3A_121], %broadcast_in_dim3A_3 {strides = array<i32>} : memref<128x512xf32, #tpu.memory_space<vmem>>, vector<16xf32>,
        %parallel_loop3A_123 = arith.index_cast %parallel_loop3A_116 : i32 to index
        %parallel_loop3A_124 = arith.constant 32 : index
        %parallel_loop3A_125 = tpu.vector_load %arg4[%parallel_loop3A_123, %parallel_loop3A_124] {strides = array<i32>} : memref<128x512xf32, #tpu.memory_space<vmem>>, vector<16xf32>,
        tpu.vector_store %arg4[%parallel_loop3A_123, %parallel_loop3A_124], %broadcast_in_dim3A_3 {strides = array<i32>} : memref<128x512xf32, #tpu.memory_space<vmem>>, vector<16xf32>,
        %parallel_loop3A_126 = arith.index_cast %parallel_loop3A_116 : i32 to index
        %parallel_loop3A_127 = arith.constant 48 : index
        %parallel_loop3A_128 = tpu.vector_load %arg4[%parallel_loop3A_126, %parallel_loop3A_127] {strides = array<i32>} : memref<128x512xf32, #tpu.memory_space<vmem>>, vector<16xf32>,
        tpu.vector_store %arg4[%parallel_loop3A_126, %parallel_loop3A_127], %broadcast_in_dim3A_3 {strides = array<i32>} : memref<128x512xf32, #tpu.memory_space<vmem>>, vector<16xf32>,
        %parallel_loop3A_129 = arith.index_cast %parallel_loop3A_116 : i32 to index
        %parallel_loop3A_130 = arith.constant 64 : index
        %parallel_loop3A_131 = tpu.vector_load %arg4[%parallel_loop3A_129, %parallel_loop3A_130] {strides = array<i32>} : memref<128x512xf32, #tpu.memory_space<vmem>>, vector<16xf32>,
        tpu.vector_store %arg4[%parallel_loop3A_129, %parallel_loop3A_130], %broadcast_in_dim3A_3 {strides = array<i32>} : memref<128x512xf32, #tpu.memory_space<vmem>>, vector<16xf32>,
        %parallel_loop3A_132 = arith.index_cast %parallel_loop3A_116 : i32 to index
        %parallel_loop3A_133 = arith.constant 80 : index
        %parallel_loop3A_134 = tpu.vector_load %arg4[%parallel_loop3A_132, %parallel_loop3A_133] {strides = array<i32>} : memref<128x512xf32, #tpu.memory_space<vmem>>, vector<16xf32>,
        tpu.vector_store %arg4[%parallel_loop3A_132, %parallel_loop3A_133], %broadcast_in_dim3A_3 {strides = array<i32>} : memref<128x512xf32, #tpu.memory_space<vmem>>, vector<16xf32>,
        %parallel_loop3A_135 = arith.index_cast %parallel_loop3A_116 : i32 to index
        %parallel_loop3A_136 = arith.constant 96 : index
        %parallel_loop3A_137 = tpu.vector_load %arg4[%parallel_loop3A_135, %parallel_loop3A_136] {strides = array<i32>} : memref<128x512xf32, #tpu.memory_space<vmem>>, vector<16xf32>,
        tpu.vector_store %arg4[%parallel_loop3A_135, %parallel_loop3A_136], %broadcast_in_dim3A_3 {strides = array<i32>} : memref<128x512xf32, #tpu.memory_space<vmem>>, vector<16xf32>,
        %parallel_loop3A_138 = arith.index_cast %parallel_loop3A_116 : i32 to index
        %parallel_loop3A_139 = arith.constant 112 : index
        %parallel_loop3A_140 = tpu.vector_load %arg4[%parallel_loop3A_138, %parallel_loop3A_139] {strides = array<i32>} : memref<128x512xf32, #tpu.memory_space<vmem>>, vector<16xf32>,
        tpu.vector_store %arg4[%parallel_loop3A_138, %parallel_loop3A_139], %broadcast_in_dim3A_3 {strides = array<i32>} : memref<128x512xf32, #tpu.memory_space<vmem>>, vector<16xf32>,
        %parallel_loop3A_141 = arith.index_cast %parallel_loop3A_116 : i32 to index
        %parallel_loop3A_142 = arith.constant 128 : index
        %parallel_loop3A_143 = tpu.vector_load %arg4[%parallel_loop3A_141, %parallel_loop3A_142] {strides = array<i32>} : memref<128x512xf32, #tpu.memory_space<vmem>>, vector<16xf32>,
        tpu.vector_store %arg4[%parallel_loop3A_141, %parallel_loop3A_142], %broadcast_in_dim3A_3 {strides = array<i32>} : memref<128x512xf32, #tpu.memory_space<vmem>>, vector<16xf32>,
        %parallel_loop3A_144 = arith.index_cast %parallel_loop3A_116 : i32 to index
        %parallel_loop3A_145 = arith.constant 144 : index
        %parallel_loop3A_146 = tpu.vector_load %arg4[%parallel_loop3A_144, %parallel_loop3A_145] {strides = array<i32>} : memref<128x512xf32, #tpu.memory_space<vmem>>, vector<16xf32>,
        tpu.vector_store %arg4[%parallel_loop3A_144, %parallel_loop3A_145], %broadcast_in_dim3A_3 {strides = array<i32>} : memref<128x512xf32, #tpu.memory_space<vmem>>, vector<16xf32>,
        %parallel_loop3A_147 = arith.index_cast %parallel_loop3A_116 : i32 to index
        %parallel_loop3A_148 = arith.constant 160 : index
        %parallel_loop3A_149 = tpu.vector_load %arg4[%parallel_loop3A_147, %parallel_loop3A_148] {strides = array<i32>} : memref<128x512xf32, #tpu.memory_space<vmem>>, vector<16xf32>,
        tpu.vector_store %arg4[%parallel_loop3A_147, %parallel_loop3A_148], %broadcast_in_dim3A_3 {strides = array<i32>} : memref<128x512xf32, #tpu.memory_space<vmem>>, vector<16xf32>,
        %parallel_loop3A_150 = arith.index_cast %parallel_loop3A_116 : i32 to index
        %parallel_loop3A_151 = arith.constant 176 : index
        %parallel_loop3A_152 = tpu.vector_load %arg4[%parallel_loop3A_150, %parallel_loop3A_151] {strides = array<i32>} : memref<128x512xf32, #tpu.memory_space<vmem>>, vector<16xf32>,
        tpu.vector_store %arg4[%parallel_loop3A_150, %parallel_loop3A_151], %broadcast_in_dim3A_3 {strides = array<i32>} : memref<128x512xf32, #tpu.memory_space<vmem>>, vector<16xf32>,
        %parallel_loop3A_153 = arith.index_cast %parallel_loop3A_116 : i32 to index
        %parallel_loop3A_154 = arith.constant 192 : index
        %parallel_loop3A_155 = tpu.vector_load %arg4[%parallel_loop3A_153, %parallel_loop3A_154] {strides = array<i32>} : memref<128x512xf32, #tpu.memory_space<vmem>>, vector<16xf32>,
        tpu.vector_store %arg4[%parallel_loop3A_153, %parallel_loop3A_154], %broadcast_in_dim3A_3 {strides = array<i32>} : memref<128x512xf32, #tpu.memory_space<vmem>>, vector<16xf32>,
        %parallel_loop3A_156 = arith.index_cast %parallel_loop3A_116 : i32 to index
        %parallel_loop3A_157 = arith.constant 208 : index
        %parallel_loop3A_158 = tpu.vector_load %arg4[%parallel_loop3A_156, %parallel_loop3A_157] {strides = array<i32>} : memref<128x512xf32, #tpu.memory_space<vmem>>, vector<16xf32>,
        tpu.vector_store %arg4[%parallel_loop3A_156, %parallel_loop3A_157], %broadcast_in_dim3A_3 {strides = array<i32>} : memref<128x512xf32, #tpu.memory_space<vmem>>, vector<16xf32>,
        %parallel_loop3A_159 = arith.index_cast %parallel_loop3A_116 : i32 to index
        %parallel_loop3A_160 = arith.constant 224 : index
        %parallel_loop3A_161 = tpu.vector_load %arg4[%parallel_loop3A_159, %parallel_loop3A_160] {strides = array<i32>} : memref<128x512xf32, #tpu.memory_space<vmem>>, vector<16xf32>,
        tpu.vector_store %arg4[%parallel_loop3A_159, %parallel_loop3A_160], %broadcast_in_dim3A_3 {strides = array<i32>} : memref<128x512xf32, #tpu.memory_space<vmem>>, vector<16xf32>,
        %parallel_loop3A_162 = arith.index_cast %parallel_loop3A_116 : i32 to index
        %parallel_loop3A_163 = arith.constant 240 : index
        %parallel_loop3A_164 = tpu.vector_load %arg4[%parallel_loop3A_162, %parallel_loop3A_163] {strides = array<i32>} : memref<128x512xf32, #tpu.memory_space<vmem>>, vector<16xf32>,
        tpu.vector_store %arg4[%parallel_loop3A_162, %parallel_loop3A_163], %broadcast_in_dim3A_3 {strides = array<i32>} : memref<128x512xf32, #tpu.memory_space<vmem>>, vector<16xf32>,
        %parallel_loop3A_165 = arith.index_cast %parallel_loop3A_116 : i32 to index
        %parallel_loop3A_166 = arith.constant 256 : index
        %parallel_loop3A_167 = tpu.vector_load %arg4[%parallel_loop3A_165, %parallel_loop3A_166] {strides = array<i32>} : memref<128x512xf32, #tpu.memory_space<vmem>>, vector<16xf32>,
        tpu.vector_store %arg4[%parallel_loop3A_165, %parallel_loop3A_166], %broadcast_in_dim3A_3 {strides = array<i32>} : memref<128x512xf32, #tpu.memory_space<vmem>>, vector<16xf32>,
        %parallel_loop3A_168 = arith.index_cast %parallel_loop3A_116 : i32 to index
        %parallel_loop3A_169 = arith.constant 272 : index
        %parallel_loop3A_170 = tpu.vector_load %arg4[%parallel_loop3A_168, %parallel_loop3A_169] {strides = array<i32>} : memref<128x512xf32, #tpu.memory_space<vmem>>, vector<16xf32>,
        tpu.vector_store %arg4[%parallel_loop3A_168, %parallel_loop3A_169], %broadcast_in_dim3A_3 {strides = array<i32>} : memref<128x512xf32, #tpu.memory_space<vmem>>, vector<16xf32>,
        %parallel_loop3A_171 = arith.index_cast %parallel_loop3A_116 : i32 to index
        %parallel_loop3A_172 = arith.constant 288 : index
        %parallel_loop3A_173 = tpu.vector_load %arg4[%parallel_loop3A_171, %parallel_loop3A_172] {strides = array<i32>} : memref<128x512xf32, #tpu.memory_space<vmem>>, vector<16xf32>,
        tpu.vector_store %arg4[%parallel_loop3A_171, %parallel_loop3A_172], %broadcast_in_dim3A_3 {strides = array<i32>} : memref<128x512xf32, #tpu.memory_space<vmem>>, vector<16xf32>,
        %parallel_loop3A_174 = arith.index_cast %parallel_loop3A_116 : i32 to index
        %parallel_loop3A_175 = arith.constant 304 : index
        %parallel_loop3A_176 = tpu.vector_load %arg4[%parallel_loop3A_174, %parallel_loop3A_175] {strides = array<i32>} : memref<128x512xf32, #tpu.memory_space<vmem>>, vector<16xf32>,
        tpu.vector_store %arg4[%parallel_loop3A_174, %parallel_loop3A_175], %broadcast_in_dim3A_3 {strides = array<i32>} : memref<128x512xf32, #tpu.memory_space<vmem>>, vector<16xf32>,
        %parallel_loop3A_177 = arith.index_cast %parallel_loop3A_116 : i32 to index
        %parallel_loop3A_178 = arith.constant 320 : index
        %parallel_loop3A_179 = tpu.vector_load %arg4[%parallel_loop3A_177, %parallel_loop3A_178] {strides = array<i32>} : memref<128x512xf32, #tpu.memory_space<vmem>>, vector<16xf32>,
        tpu.vector_store %arg4[%parallel_loop3A_177, %parallel_loop3A_178], %broadcast_in_dim3A_3 {strides = array<i32>} : memref<128x512xf32, #tpu.memory_space<vmem>>, vector<16xf32>,
        %parallel_loop3A_180 = arith.index_cast %parallel_loop3A_116 : i32 to index
        %parallel_loop3A_181 = arith.constant 336 : index
        %parallel_loop3A_182 = tpu.vector_load %arg4[%parallel_loop3A_180, %parallel_loop3A_181] {strides = array<i32>} : memref<128x512xf32, #tpu.memory_space<vmem>>, vector<16xf32>,
        tpu.vector_store %arg4[%parallel_loop3A_180, %parallel_loop3A_181], %broadcast_in_dim3A_3 {strides = array<i32>} : memref<128x512xf32, #tpu.memory_space<vmem>>, vector<16xf32>,
        %parallel_loop3A_183 = arith.index_cast %parallel_loop3A_116 : i32 to index
        %parallel_loop3A_184 = arith.constant 352 : index
        %parallel_loop3A_185 = tpu.vector_load %arg4[%parallel_loop3A_183, %parallel_loop3A_184] {strides = array<i32>} : memref<128x512xf32, #tpu.memory_space<vmem>>, vector<16xf32>,
        tpu.vector_store %arg4[%parallel_loop3A_183, %parallel_loop3A_184], %broadcast_in_dim3A_3 {strides = array<i32>} : memref<128x512xf32, #tpu.memory_space<vmem>>, vector<16xf32>,
        %parallel_loop3A_186 = arith.index_cast %parallel_loop3A_116 : i32 to index
        %parallel_loop3A_187 = arith.constant 368 : index
        %parallel_loop3A_188 = tpu.vector_load %arg4[%parallel_loop3A_186, %parallel_loop3A_187] {strides = array<i32>} : memref<128x512xf32, #tpu.memory_space<vmem>>, vector<16xf32>,
        tpu.vector_store %arg4[%parallel_loop3A_186, %parallel_loop3A_187], %broadcast_in_dim3A_3 {strides = array<i32>} : memref<128x512xf32, #tpu.memory_space<vmem>>, vector<16xf32>,
        %parallel_loop3A_189 = arith.index_cast %parallel_loop3A_116 : i32 to index
        %parallel_loop3A_190 = arith.constant 384 : index
        %parallel_loop3A_191 = tpu.vector_load %arg4[%parallel_loop3A_189, %parallel_loop3A_190] {strides = array<i32>} : memref<128x512xf32, #tpu.memory_space<vmem>>, vector<16xf32>,
        tpu.vector_store %arg4[%parallel_loop3A_189, %parallel_loop3A_190], %broadcast_in_dim3A_3 {strides = array<i32>} : memref<128x512xf32, #tpu.memory_space<vmem>>, vector<16xf32>,
        %parallel_loop3A_192 = arith.index_cast %parallel_loop3A_116 : i32 to index
        %parallel_loop3A_193 = arith.constant 400 : index
        %parallel_loop3A_194 = tpu.vector_load %arg4[%parallel_loop3A_192, %parallel_loop3A_193] {strides = array<i32>} : memref<128x512xf32, #tpu.memory_space<vmem>>, vector<16xf32>,
        tpu.vector_store %arg4[%parallel_loop3A_192, %parallel_loop3A_193], %broadcast_in_dim3A_3 {strides = array<i32>} : memref<128x512xf32, #tpu.memory_space<vmem>>, vector<16xf32>,
        %parallel_loop3A_195 = arith.index_cast %parallel_loop3A_116 : i32 to index
        %parallel_loop3A_196 = arith.constant 416 : index
        %parallel_loop3A_197 = tpu.vector_load %arg4[%parallel_loop3A_195, %parallel_loop3A_196] {strides = array<i32>} : memref<128x512xf32, #tpu.memory_space<vmem>>, vector<16xf32>,
        tpu.vector_store %arg4[%parallel_loop3A_195, %parallel_loop3A_196], %broadcast_in_dim3A_3 {strides = array<i32>} : memref<128x512xf32, #tpu.memory_space<vmem>>, vector<16xf32>,
        %parallel_loop3A_198 = arith.index_cast %parallel_loop3A_116 : i32 to index
        %parallel_loop3A_199 = arith.constant 432 : index
        %parallel_loop3A_200 = tpu.vector_load %arg4[%parallel_loop3A_198, %parallel_loop3A_199] {strides = array<i32>} : memref<128x512xf32, #tpu.memory_space<vmem>>, vector<16xf32>,
        tpu.vector_store %arg4[%parallel_loop3A_198, %parallel_loop3A_199], %broadcast_in_dim3A_3 {strides = array<i32>} : memref<128x512xf32, #tpu.memory_space<vmem>>, vector<16xf32>,
        %parallel_loop3A_201 = arith.index_cast %parallel_loop3A_116 : i32 to index
        %parallel_loop3A_202 = arith.constant 448 : index
        %parallel_loop3A_203 = tpu.vector_load %arg4[%parallel_loop3A_201, %parallel_loop3A_202] {strides = array<i32>} : memref<128x512xf32, #tpu.memory_space<vmem>>, vector<16xf32>,
        tpu.vector_store %arg4[%parallel_loop3A_201, %parallel_loop3A_202], %broadcast_in_dim3A_3 {strides = array<i32>} : memref<128x512xf32, #tpu.memory_space<vmem>>, vector<16xf32>,
        %parallel_loop3A_204 = arith.index_cast %parallel_loop3A_116 : i32 to index
        %parallel_loop3A_205 = arith.constant 464 : index
        %parallel_loop3A_206 = tpu.vector_load %arg4[%parallel_loop3A_204, %parallel_loop3A_205] {strides = array<i32>} : memref<128x512xf32, #tpu.memory_space<vmem>>, vector<16xf32>,
        tpu.vector_store %arg4[%parallel_loop3A_204, %parallel_loop3A_205], %broadcast_in_dim3A_3 {strides = array<i32>} : memref<128x512xf32, #tpu.memory_space<vmem>>, vector<16xf32>,
        %parallel_loop3A_207 = arith.index_cast %parallel_loop3A_116 : i32 to index
        %parallel_loop3A_208 = arith.constant 480 : index
        %parallel_loop3A_209 = tpu.vector_load %arg4[%parallel_loop3A_207, %parallel_loop3A_208] {strides = array<i32>} : memref<128x512xf32, #tpu.memory_space<vmem>>, vector<16xf32>,
        tpu.vector_store %arg4[%parallel_loop3A_207, %parallel_loop3A_208], %broadcast_in_dim3A_3 {strides = array<i32>} : memref<128x512xf32, #tpu.memory_space<vmem>>, vector<16xf32>,
        %parallel_loop3A_210 = arith.index_cast %parallel_loop3A_116 : i32 to index
        %parallel_loop3A_211 = arith.constant 496 : index
        %parallel_loop3A_212 = tpu.vector_load %arg4[%parallel_loop3A_210, %parallel_loop3A_211] {strides = array<i32>} : memref<128x512xf32, #tpu.memory_space<vmem>>, vector<16xf32>,
        tpu.vector_store %arg4[%parallel_loop3A_210, %parallel_loop3A_211], %broadcast_in_dim3A_3 {strides = array<i32>} : memref<128x512xf32, #tpu.memory_space<vmem>>, vector<16xf32>,
      } {sc.loop_unroll_factor = 2 : i64, sc.parallel_access}
      %parallel_loop3A_113 = arith.constant 0 : i32
      %parallel_loop3A_114 = arith.constant 1000 : i32
      %parallel_loop3A_115 = arith.constant 1 : i32
      scf.for %parallel_loop3A_116 = %parallel_loop3A_113 to %parallel_loop3A_114 step %parallel_loop3A_115  : i32 {
        %parallel_loop3A_117 = arith.constant 16 : i32
        %parallel_loop3A_118 = arith.muli %parallel_loop3A_116, %parallel_loop3A_117 : i32
        %parallel_loop3A_119 = arith.constant 0 : i32
        %parallel_loop3A_120 = arith.constant 0 : i32
        %parallel_loop3A_121 = arith.index_cast %parallel_loop3A_119 : i32 to index
        %parallel_loop3A_122 = arith.index_cast %parallel_loop3A_120 : i32 to index
        %parallel_loop3A_123 = arith.index_cast %parallel_loop3A_118 : i32 to index
        %parallel_loop3A_124 = tpu.vector_load %arg5[%parallel_loop3A_121, %parallel_loop3A_122, %parallel_loop3A_123] {strides = array<i32>} : memref<2x2x16000xi32, #tpu.memory_space<vmem>>, vector<16xi32>,
        %parallel_loop3A_125 = arith.constant 16 : i32
        %parallel_loop3A_126 = arith.muli %parallel_loop3A_116, %parallel_loop3A_125 : i32
        %parallel_loop3A_127 = arith.constant 0 : i32
        %parallel_loop3A_128 = arith.constant 1 : i32
        %parallel_loop3A_129 = arith.index_cast %parallel_loop3A_127 : i32 to index
        %parallel_loop3A_130 = arith.index_cast %parallel_loop3A_128 : i32 to index
        %parallel_loop3A_131 = arith.index_cast %parallel_loop3A_126 : i32 to index
        %parallel_loop3A_132 = tpu.vector_load %arg5[%parallel_loop3A_129, %parallel_loop3A_130, %parallel_loop3A_131] {strides = array<i32>} : memref<2x2x16000xi32, #tpu.memory_space<vmem>>, vector<16xi32>,
        %parallel_loop3A_133 = vector.broadcast %mul3A_94 : i32 to vector<16xi32>
        %parallel_loop3A_134 = arith.subi %parallel_loop3A_132, %parallel_loop3A_133 : vector<16xi32>
        %parallel_loop3A_135 = arith.constant 0 : i32
        %parallel_loop3A_136 = vector.broadcast %parallel_loop3A_135 : i32 to vector<16xi32>
        %parallel_loop3A_137 = arith.cmpi sge, %parallel_loop3A_134, %parallel_loop3A_136 : vector<16xi32>
        %parallel_loop3A_138 = arith.constant 128 : i32
        %parallel_loop3A_139 = vector.broadcast %parallel_loop3A_138 : i32 to vector<16xi32>
        %parallel_loop3A_140 = arith.cmpi slt, %parallel_loop3A_134, %parallel_loop3A_139 : vector<16xi32>
        %parallel_loop3A_141 = arith.andi %parallel_loop3A_137, %parallel_loop3A_140 : vector<16xi1>
        tpu.vector_store_idx %arg4[%parallel_loop3A_134, %parallel_loop3A_124], %broadcast_in_dim3A_1 masked %parallel_loop3A_141 {add = true} : memref<128x512xf32, #tpu.memory_space<vmem>>[vector<16xi32>, vector<16xi32>], vector<16xf32>, vector<16xi1>
      } {sc.loop_unroll_factor = 4 : i64, sc.parallel_access}
      "tpu.region"() ({
        %run_scoped3A = tpu.sem_alloc : memref<!tpu.dma_semaphore, #tpu.memory_space<semaphore_mem>>
        %dma_start3A_116 = arith.constant 0 : i32
        %dma_start3A_117 = tpu.memref_slice %arg3[%select_n3A_77, %mul3A_94, %dma_start3A_116] : memref<20x512x512xf32, #tpu.memory_space<hbm>> -> memref<1x128x512xf32, #tpu.memory_space<hbm>>
        %dma_start3A_118 = tpu.memref_squeeze %dma_start3A_117 : memref<1x128x512xf32, #tpu.memory_space<hbm>> -> memref<128x512xf32, #tpu.memory_space<hbm>>
        %dma_start3A_119 = arith.constant 0 : i32
        %dma_start3A_120 = tpu.memref_slice %arg3[%select_n3A_77, %mul3A_94, %dma_start3A_119] : memref<20x512x512xf32, #tpu.memory_space<hbm>> -> memref<1x128x512xf32, #tpu.memory_space<hbm>>
        %dma_start3A_121 = tpu.memref_squeeze %dma_start3A_120 : memref<1x128x512xf32, #tpu.memory_space<hbm>> -> memref<128x512xf32, #tpu.memory_space<hbm>>
        tpu.enqueue_dma source(%arg4 : memref<128x512xf32, #tpu.memory_space<vmem>>) target(%dma_start3A_121 : memref<128x512xf32, #tpu.memory_space<hbm>>) target_semaphore(%run_scoped3A : memref<!tpu.dma_semaphore, #tpu.memory_space<semaphore_mem>>)
        %dma_wait3A_122 = arith.constant 0 : i32
        %dma_wait3A_123 = tpu.memref_slice %arg3[%select_n3A_77, %mul3A_94, %dma_wait3A_122] : memref<20x512x512xf32, #tpu.memory_space<hbm>> -> memref<1x128x512xf32, #tpu.memory_space<hbm>>
        %dma_wait3A_124 = tpu.memref_squeeze %dma_wait3A_123 : memref<1x128x512xf32, #tpu.memory_space<hbm>> -> memref<128x512xf32, #tpu.memory_space<hbm>>
        %dma_wait3A_125 = arith.constant 0 : i32
        %dma_wait3A_126 = tpu.memref_slice %arg3[%select_n3A_77, %mul3A_94, %dma_wait3A_125] : memref<20x512x512xf32, #tpu.memory_space<hbm>> -> memref<1x128x512xf32, #tpu.memory_space<hbm>>
        %dma_wait3A_127 = tpu.memref_squeeze %dma_wait3A_126 : memref<1x128x512xf32, #tpu.memory_space<hbm>> -> memref<128x512xf32, #tpu.memory_space<hbm>>
        tpu.wait_dma2 semaphore(%run_scoped3A : memref<!tpu.dma_semaphore, #tpu.memory_space<semaphore_mem>>) src(%arg4 : memref<128x512xf32, #tpu.memory_space<vmem>>) dst(%dma_wait3A_127 : memref<128x512xf32, #tpu.memory_space<hbm>>)
        tpu.yield
      }) : () -> ()
    } else {
    }
    return
  }
}

module attributes {stable_mosaic.version = 14 : i64} {
  func.func @_gcn_body(%arg0: i32, %arg1: memref<4x512x512xf32, #tpu.memory_space<vmem>>, %arg2: memref<500x128xf32, #tpu.memory_space<vmem>>, %arg3: memref<128x128xf32, #tpu.memory_space<vmem>>, %arg4: memref<1x128xf32, #tpu.memory_space<vmem>>, %arg5: memref<128x128xf32, #tpu.memory_space<vmem>>, %arg6: memref<1x128xf32, #tpu.memory_space<vmem>>, %arg7: memref<2000x128xf32, #tpu.memory_space<vmem>>) attributes {dimension_semantics = [#tpu.dimension_semantics<arbitrary>], iteration_bounds = array<i64: 5>, scalar_prefetch = 0 : i64, scratch_operands = 0 : i64, tpu.core_type = #tpu.core_type<tc>, window_params = [{transform_indices = @transform_0, window_bounds = array<i64: 4, 512, 512>}, {pipeline_mode = #tpu.pipeline_mode<synchronous>, transform_indices = @transform_1, window_bounds = array<i64: 500, 128>}, {pipeline_mode = #tpu.pipeline_mode<synchronous>, transform_indices = @transform_2, window_bounds = array<i64: 128, 128>}, {pipeline_mode = #tpu.pipeline_mode<synchronous>, transform_indices = @transform_3, window_bounds = array<i64: 1, 128>}, {pipeline_mode = #tpu.pipeline_mode<synchronous>, transform_indices = @transform_4, window_bounds = array<i64: 128, 128>}, {pipeline_mode = #tpu.pipeline_mode<synchronous>, transform_indices = @transform_5, window_bounds = array<i64: 1, 128>}, {transform_indices = @transform_6, window_bounds = array<i64: 2000, 128>}]} {
    %get3A = arith.constant 0 : index
    %get3A_0 = arith.constant 0 : index
    %get3A_1 = vector.load %arg2[%get3A, %get3A_0] : memref<500x128xf32, #tpu.memory_space<vmem>>, vector<500x128xf32>
    %get3A_2 = arith.constant 0 : index
    %get3A_3 = arith.constant 0 : index
    %get3A_4 = vector.load %arg3[%get3A_2, %get3A_3] : memref<128x128xf32, #tpu.memory_space<vmem>>, vector<128x128xf32>
    %dot_general3A = arith.constant dense<0.000000e+00> : vector<500x128xf32>
    %dot_general3A_5 = tpu.matmul %get3A_1, %get3A_4, %dot_general3A {dimension_numbers = #tpu.dot_dimension_numbers<[1], [0], [0], [1], [0, 0, 1, 1], [], []>, transpose_lhs_hint = false} : vector<500x128xf32>, vector<128x128xf32>, vector<500x128xf32> -> vector<500x128xf32>
    %get3A_6 = arith.constant 0 : index
    %get3A_7 = arith.constant 0 : index
    %get3A_8 = arith.constant 0 : index
    %get3A_9 = vector.load %arg1[%get3A_6, %get3A_7, %get3A_8] : memref<4x512x512xf32, #tpu.memory_space<vmem>>, vector<1x512x512xf32>
    %get3A_10 = vector.shape_cast %get3A_9 : vector<1x512x512xf32> to vector<512x512xf32>
    %slice3A = vector.extract_strided_slice %get3A_10 {offsets = [0, 0], sizes = [500, 500], strides = [1, 1]} : vector<512x512xf32> to vector<500x500xf32>
    %convert_element_type3A = arith.truncf %slice3A : vector<500x500xf32> to vector<500x500xbf16>
    %reduce_sum3A = arith.constant dense<0.000000e+00> : vector<512xf32>
    %reduce_sum3A_11 = vector.multi_reduction <add>, %get3A_10, %reduce_sum3A [1] : vector<512x512xf32> to vector<512xf32>
    %broadcast_in_dim3A = vector.shape_cast %reduce_sum3A_11 : vector<512xf32> to vector<512x1xf32>
    %slice3A_12 = vector.extract_strided_slice %broadcast_in_dim3A {offsets = [0, 0], sizes = [500, 1], strides = [1, 1]} : vector<512x1xf32> to vector<500x1xf32>
    %add3A = arith.constant 1.000000e+00 : f32
    %add3A_13 = vector.broadcast %add3A : f32 to vector<500x1xf32>
    %add3A_14 = arith.addf %slice3A_12, %add3A_13 : vector<500x1xf32>
    %sqrt3A = math.sqrt %add3A_14 : vector<500x1xf32>
    %div3A = arith.constant 1.000000e+00 : f32
    %div3A_15 = vector.broadcast %div3A : f32 to vector<500x1xf32>
    %div3A_16 = arith.divf %div3A_15, %sqrt3A : vector<500x1xf32>
    %mul3A = vector.broadcast %div3A_16 : vector<500x1xf32> to vector<500x128xf32>
    %mul3A_17 = arith.mulf %dot_general3A_5, %mul3A : vector<500x128xf32>
    %convert_element_type3A_18 = arith.truncf %mul3A_17 : vector<500x128xf32> to vector<500x128xbf16>
    %dot_general3A_19 = arith.constant dense<0.000000e+00> : vector<500x128xf32>
    %dot_general3A_20 = tpu.matmul %convert_element_type3A, %convert_element_type3A_18, %dot_general3A_19 {dimension_numbers = #tpu.dot_dimension_numbers<[1], [0], [0], [1], [0, 0, 1, 1], [], []>, transpose_lhs_hint = false} : vector<500x500xbf16>, vector<500x128xbf16>, vector<500x128xf32> -> vector<500x128xf32>
    %add3A_21 = arith.addf %dot_general3A_20, %mul3A_17 : vector<500x128xf32>
    %mul3A_22 = vector.broadcast %div3A_16 : vector<500x1xf32> to vector<500x128xf32>
    %mul3A_23 = arith.mulf %add3A_21, %mul3A_22 : vector<500x128xf32>
    %get3A_24 = arith.constant 0 : index
    %get3A_25 = arith.constant 0 : index
    %get3A_26 = vector.load %arg4[%get3A_24, %get3A_25] : memref<1x128xf32, #tpu.memory_space<vmem>>, vector<1x128xf32>
    %add3A_27 = vector.broadcast %get3A_26 : vector<1x128xf32> to vector<500x128xf32>
    %add3A_28 = arith.addf %mul3A_23, %add3A_27 : vector<500x128xf32>
    %max3A = arith.constant 0.000000e+00 : f32
    %max3A_29 = vector.broadcast %max3A : f32 to vector<500x128xf32>
    %max3A_30 = arith.maximumf %add3A_28, %max3A_29 : vector<500x128xf32>
    %get3A_31 = arith.constant 0 : index
    %get3A_32 = arith.constant 0 : index
    %get3A_33 = vector.load %arg5[%get3A_31, %get3A_32] : memref<128x128xf32, #tpu.memory_space<vmem>>, vector<128x128xf32>
    %dot_general3A_34 = arith.constant dense<0.000000e+00> : vector<500x128xf32>
    %dot_general3A_35 = tpu.matmul %max3A_30, %get3A_33, %dot_general3A_34 {dimension_numbers = #tpu.dot_dimension_numbers<[1], [0], [0], [1], [0, 0, 1, 1], [], []>, transpose_lhs_hint = false} : vector<500x128xf32>, vector<128x128xf32>, vector<500x128xf32> -> vector<500x128xf32>
    %mul3A_36 = vector.broadcast %div3A_16 : vector<500x1xf32> to vector<500x128xf32>
    %mul3A_37 = arith.mulf %dot_general3A_35, %mul3A_36 : vector<500x128xf32>
    %convert_element_type3A_38 = arith.truncf %mul3A_37 : vector<500x128xf32> to vector<500x128xbf16>
    %dot_general3A_39 = arith.constant dense<0.000000e+00> : vector<500x128xf32>
    %dot_general3A_40 = tpu.matmul %convert_element_type3A, %convert_element_type3A_38, %dot_general3A_39 {dimension_numbers = #tpu.dot_dimension_numbers<[1], [0], [0], [1], [0, 0, 1, 1], [], []>, transpose_lhs_hint = false} : vector<500x500xbf16>, vector<500x128xbf16>, vector<500x128xf32> -> vector<500x128xf32>
    %add3A_41 = arith.addf %dot_general3A_40, %mul3A_37 : vector<500x128xf32>
    %mul3A_42 = vector.broadcast %div3A_16 : vector<500x1xf32> to vector<500x128xf32>
    %mul3A_43 = arith.mulf %add3A_41, %mul3A_42 : vector<500x128xf32>
    %get3A_44 = arith.constant 0 : index
    %get3A_45 = arith.constant 0 : index
    %get3A_46 = vector.load %arg6[%get3A_44, %get3A_45] : memref<1x128xf32, #tpu.memory_space<vmem>>, vector<1x128xf32>
    %add3A_47 = vector.broadcast %get3A_46 : vector<1x128xf32> to vector<500x128xf32>
    %add3A_48 = arith.addf %mul3A_43, %add3A_47 : vector<500x128xf32>
    %max3A_49 = arith.constant 0.000000e+00 : f32
    %max3A_50 = vector.broadcast %max3A_49 : f32 to vector<500x128xf32>
    %max3A_51 = arith.maximumf %add3A_48, %max3A_50 : vector<500x128xf32>
    %swap3A = arith.constant 0 : index
    %swap3A_52 = arith.constant 0 : index
    %swap3A_53 = vector.load %arg7[%swap3A, %swap3A_52] : memref<2000x128xf32, #tpu.memory_space<vmem>>, vector<500x128xf32>
    tpu.vector_store %arg7[%swap3A, %swap3A_52], %max3A_51 {strides = array<i32>} : memref<2000x128xf32, #tpu.memory_space<vmem>>, vector<500x128xf32>,
    %get3A_54 = arith.constant 1 : index
    %get3A_55 = arith.constant 0 : index
    %get3A_56 = arith.constant 0 : index
    %get3A_57 = vector.load %arg1[%get3A_54, %get3A_55, %get3A_56] : memref<4x512x512xf32, #tpu.memory_space<vmem>>, vector<1x512x512xf32>
    %get3A_58 = vector.shape_cast %get3A_57 : vector<1x512x512xf32> to vector<512x512xf32>
    %slice3A_59 = vector.extract_strided_slice %get3A_58 {offsets = [0, 0], sizes = [500, 500], strides = [1, 1]} : vector<512x512xf32> to vector<500x500xf32>
    %convert_element_type3A_60 = arith.truncf %slice3A_59 : vector<500x500xf32> to vector<500x500xbf16>
    %reduce_sum3A_61 = arith.constant dense<0.000000e+00> : vector<512xf32>
    %reduce_sum3A_62 = vector.multi_reduction <add>, %get3A_58, %reduce_sum3A_61 [1] : vector<512x512xf32> to vector<512xf32>
    %broadcast_in_dim3A_63 = vector.shape_cast %reduce_sum3A_62 : vector<512xf32> to vector<512x1xf32>
    %slice3A_64 = vector.extract_strided_slice %broadcast_in_dim3A_63 {offsets = [0, 0], sizes = [500, 1], strides = [1, 1]} : vector<512x1xf32> to vector<500x1xf32>
    %add3A_65 = arith.constant 1.000000e+00 : f32
    %add3A_66 = vector.broadcast %add3A_65 : f32 to vector<500x1xf32>
    %add3A_67 = arith.addf %slice3A_64, %add3A_66 : vector<500x1xf32>
    %sqrt3A_68 = math.sqrt %add3A_67 : vector<500x1xf32>
    %div3A_69 = arith.constant 1.000000e+00 : f32
    %div3A_70 = vector.broadcast %div3A_69 : f32 to vector<500x1xf32>
    %div3A_71 = arith.divf %div3A_70, %sqrt3A_68 : vector<500x1xf32>
    %mul3A_72 = vector.broadcast %div3A_71 : vector<500x1xf32> to vector<500x128xf32>
    %mul3A_73 = arith.mulf %dot_general3A_5, %mul3A_72 : vector<500x128xf32>
    %convert_element_type3A_74 = arith.truncf %mul3A_73 : vector<500x128xf32> to vector<500x128xbf16>
    %dot_general3A_75 = arith.constant dense<0.000000e+00> : vector<500x128xf32>
    %dot_general3A_76 = tpu.matmul %convert_element_type3A_60, %convert_element_type3A_74, %dot_general3A_75 {dimension_numbers = #tpu.dot_dimension_numbers<[1], [0], [0], [1], [0, 0, 1, 1], [], []>, transpose_lhs_hint = false} : vector<500x500xbf16>, vector<500x128xbf16>, vector<500x128xf32> -> vector<500x128xf32>
    %add3A_77 = arith.addf %dot_general3A_76, %mul3A_73 : vector<500x128xf32>
    %mul3A_78 = vector.broadcast %div3A_71 : vector<500x1xf32> to vector<500x128xf32>
    %mul3A_79 = arith.mulf %add3A_77, %mul3A_78 : vector<500x128xf32>
    %get3A_80 = arith.constant 0 : index
    %get3A_81 = arith.constant 0 : index
    %get3A_82 = vector.load %arg4[%get3A_80, %get3A_81] : memref<1x128xf32, #tpu.memory_space<vmem>>, vector<1x128xf32>
    %add3A_83 = vector.broadcast %get3A_82 : vector<1x128xf32> to vector<500x128xf32>
    %add3A_84 = arith.addf %mul3A_79, %add3A_83 : vector<500x128xf32>
    %max3A_85 = arith.constant 0.000000e+00 : f32
    %max3A_86 = vector.broadcast %max3A_85 : f32 to vector<500x128xf32>
    %max3A_87 = arith.maximumf %add3A_84, %max3A_86 : vector<500x128xf32>
    %get3A_88 = arith.constant 0 : index
    %get3A_89 = arith.constant 0 : index
    %get3A_90 = vector.load %arg5[%get3A_88, %get3A_89] : memref<128x128xf32, #tpu.memory_space<vmem>>, vector<128x128xf32>
    %dot_general3A_91 = arith.constant dense<0.000000e+00> : vector<500x128xf32>
    %dot_general3A_92 = tpu.matmul %max3A_87, %get3A_90, %dot_general3A_91 {dimension_numbers = #tpu.dot_dimension_numbers<[1], [0], [0], [1], [0, 0, 1, 1], [], []>, transpose_lhs_hint = false} : vector<500x128xf32>, vector<128x128xf32>, vector<500x128xf32> -> vector<500x128xf32>
    %mul3A_93 = vector.broadcast %div3A_71 : vector<500x1xf32> to vector<500x128xf32>
    %mul3A_94 = arith.mulf %dot_general3A_92, %mul3A_93 : vector<500x128xf32>
    %convert_element_type3A_95 = arith.truncf %mul3A_94 : vector<500x128xf32> to vector<500x128xbf16>
    %dot_general3A_96 = arith.constant dense<0.000000e+00> : vector<500x128xf32>
    %dot_general3A_97 = tpu.matmul %convert_element_type3A_60, %convert_element_type3A_95, %dot_general3A_96 {dimension_numbers = #tpu.dot_dimension_numbers<[1], [0], [0], [1], [0, 0, 1, 1], [], []>, transpose_lhs_hint = false} : vector<500x500xbf16>, vector<500x128xbf16>, vector<500x128xf32> -> vector<500x128xf32>
    %add3A_98 = arith.addf %dot_general3A_97, %mul3A_94 : vector<500x128xf32>
    %mul3A_99 = vector.broadcast %div3A_71 : vector<500x1xf32> to vector<500x128xf32>
    %mul3A_100 = arith.mulf %add3A_98, %mul3A_99 : vector<500x128xf32>
    %get3A_101 = arith.constant 0 : index
    %get3A_102 = arith.constant 0 : index
    %get3A_103 = vector.load %arg6[%get3A_101, %get3A_102] : memref<1x128xf32, #tpu.memory_space<vmem>>, vector<1x128xf32>
    %add3A_104 = vector.broadcast %get3A_103 : vector<1x128xf32> to vector<500x128xf32>
    %add3A_105 = arith.addf %mul3A_100, %add3A_104 : vector<500x128xf32>
    %max3A_106 = arith.constant 0.000000e+00 : f32
    %max3A_107 = vector.broadcast %max3A_106 : f32 to vector<500x128xf32>
    %max3A_108 = arith.maximumf %add3A_105, %max3A_107 : vector<500x128xf32>
    %swap3A_109 = arith.constant 500 : index
    %swap3A_110 = arith.constant 0 : index
    %swap3A_111 = vector.load %arg7[%swap3A_109, %swap3A_110] : memref<2000x128xf32, #tpu.memory_space<vmem>>, vector<500x128xf32>
    tpu.vector_store %arg7[%swap3A_109, %swap3A_110], %max3A_108 {strides = array<i32>} : memref<2000x128xf32, #tpu.memory_space<vmem>>, vector<500x128xf32>,
    %get3A_112 = arith.constant 2 : index
    %get3A_113 = arith.constant 0 : index
    %get3A_114 = arith.constant 0 : index
    %get3A_115 = vector.load %arg1[%get3A_112, %get3A_113, %get3A_114] : memref<4x512x512xf32, #tpu.memory_space<vmem>>, vector<1x512x512xf32>
    %get3A_116 = vector.shape_cast %get3A_115 : vector<1x512x512xf32> to vector<512x512xf32>
    %slice3A_117 = vector.extract_strided_slice %get3A_116 {offsets = [0, 0], sizes = [500, 500], strides = [1, 1]} : vector<512x512xf32> to vector<500x500xf32>
    %convert_element_type3A_118 = arith.truncf %slice3A_117 : vector<500x500xf32> to vector<500x500xbf16>
    %reduce_sum3A_119 = arith.constant dense<0.000000e+00> : vector<512xf32>
    %reduce_sum3A_120 = vector.multi_reduction <add>, %get3A_116, %reduce_sum3A_119 [1] : vector<512x512xf32> to vector<512xf32>
    %broadcast_in_dim3A_121 = vector.shape_cast %reduce_sum3A_120 : vector<512xf32> to vector<512x1xf32>
    %slice3A_122 = vector.extract_strided_slice %broadcast_in_dim3A_121 {offsets = [0, 0], sizes = [500, 1], strides = [1, 1]} : vector<512x1xf32> to vector<500x1xf32>
    %add3A_123 = arith.constant 1.000000e+00 : f32
    %add3A_124 = vector.broadcast %add3A_123 : f32 to vector<500x1xf32>
    %add3A_125 = arith.addf %slice3A_122, %add3A_124 : vector<500x1xf32>
    %sqrt3A_126 = math.sqrt %add3A_125 : vector<500x1xf32>
    %div3A_127 = arith.constant 1.000000e+00 : f32
    %div3A_128 = vector.broadcast %div3A_127 : f32 to vector<500x1xf32>
    %div3A_129 = arith.divf %div3A_128, %sqrt3A_126 : vector<500x1xf32>
    %mul3A_130 = vector.broadcast %div3A_129 : vector<500x1xf32> to vector<500x128xf32>
    %mul3A_131 = arith.mulf %dot_general3A_5, %mul3A_130 : vector<500x128xf32>
    %convert_element_type3A_132 = arith.truncf %mul3A_131 : vector<500x128xf32> to vector<500x128xbf16>
    %dot_general3A_133 = arith.constant dense<0.000000e+00> : vector<500x128xf32>
    %dot_general3A_134 = tpu.matmul %convert_element_type3A_118, %convert_element_type3A_132, %dot_general3A_133 {dimension_numbers = #tpu.dot_dimension_numbers<[1], [0], [0], [1], [0, 0, 1, 1], [], []>, transpose_lhs_hint = false} : vector<500x500xbf16>, vector<500x128xbf16>, vector<500x128xf32> -> vector<500x128xf32>
    %add3A_135 = arith.addf %dot_general3A_134, %mul3A_131 : vector<500x128xf32>
    %mul3A_136 = vector.broadcast %div3A_129 : vector<500x1xf32> to vector<500x128xf32>
    %mul3A_137 = arith.mulf %add3A_135, %mul3A_136 : vector<500x128xf32>
    %get3A_138 = arith.constant 0 : index
    %get3A_139 = arith.constant 0 : index
    %get3A_140 = vector.load %arg4[%get3A_138, %get3A_139] : memref<1x128xf32, #tpu.memory_space<vmem>>, vector<1x128xf32>
    %add3A_141 = vector.broadcast %get3A_140 : vector<1x128xf32> to vector<500x128xf32>
    %add3A_142 = arith.addf %mul3A_137, %add3A_141 : vector<500x128xf32>
    %max3A_143 = arith.constant 0.000000e+00 : f32
    %max3A_144 = vector.broadcast %max3A_143 : f32 to vector<500x128xf32>
    %max3A_145 = arith.maximumf %add3A_142, %max3A_144 : vector<500x128xf32>
    %get3A_146 = arith.constant 0 : index
    %get3A_147 = arith.constant 0 : index
    %get3A_148 = vector.load %arg5[%get3A_146, %get3A_147] : memref<128x128xf32, #tpu.memory_space<vmem>>, vector<128x128xf32>
    %dot_general3A_149 = arith.constant dense<0.000000e+00> : vector<500x128xf32>
    %dot_general3A_150 = tpu.matmul %max3A_145, %get3A_148, %dot_general3A_149 {dimension_numbers = #tpu.dot_dimension_numbers<[1], [0], [0], [1], [0, 0, 1, 1], [], []>, transpose_lhs_hint = false} : vector<500x128xf32>, vector<128x128xf32>, vector<500x128xf32> -> vector<500x128xf32>
    %mul3A_151 = vector.broadcast %div3A_129 : vector<500x1xf32> to vector<500x128xf32>
    %mul3A_152 = arith.mulf %dot_general3A_150, %mul3A_151 : vector<500x128xf32>
    %convert_element_type3A_153 = arith.truncf %mul3A_152 : vector<500x128xf32> to vector<500x128xbf16>
    %dot_general3A_154 = arith.constant dense<0.000000e+00> : vector<500x128xf32>
    %dot_general3A_155 = tpu.matmul %convert_element_type3A_118, %convert_element_type3A_153, %dot_general3A_154 {dimension_numbers = #tpu.dot_dimension_numbers<[1], [0], [0], [1], [0, 0, 1, 1], [], []>, transpose_lhs_hint = false} : vector<500x500xbf16>, vector<500x128xbf16>, vector<500x128xf32> -> vector<500x128xf32>
    %add3A_156 = arith.addf %dot_general3A_155, %mul3A_152 : vector<500x128xf32>
    %mul3A_157 = vector.broadcast %div3A_129 : vector<500x1xf32> to vector<500x128xf32>
    %mul3A_158 = arith.mulf %add3A_156, %mul3A_157 : vector<500x128xf32>
    %get3A_159 = arith.constant 0 : index
    %get3A_160 = arith.constant 0 : index
    %get3A_161 = vector.load %arg6[%get3A_159, %get3A_160] : memref<1x128xf32, #tpu.memory_space<vmem>>, vector<1x128xf32>
    %add3A_162 = vector.broadcast %get3A_161 : vector<1x128xf32> to vector<500x128xf32>
    %add3A_163 = arith.addf %mul3A_158, %add3A_162 : vector<500x128xf32>
    %max3A_164 = arith.constant 0.000000e+00 : f32
    %max3A_165 = vector.broadcast %max3A_164 : f32 to vector<500x128xf32>
    %max3A_166 = arith.maximumf %add3A_163, %max3A_165 : vector<500x128xf32>
    %swap3A_167 = arith.constant 1000 : index
    %swap3A_168 = arith.constant 0 : index
    %swap3A_169 = vector.load %arg7[%swap3A_167, %swap3A_168] : memref<2000x128xf32, #tpu.memory_space<vmem>>, vector<500x128xf32>
    tpu.vector_store %arg7[%swap3A_167, %swap3A_168], %max3A_166 {strides = array<i32>} : memref<2000x128xf32, #tpu.memory_space<vmem>>, vector<500x128xf32>,
    %get3A_170 = arith.constant 3 : index
    %get3A_171 = arith.constant 0 : index
    %get3A_172 = arith.constant 0 : index
    %get3A_173 = vector.load %arg1[%get3A_170, %get3A_171, %get3A_172] : memref<4x512x512xf32, #tpu.memory_space<vmem>>, vector<1x512x512xf32>
    %get3A_174 = vector.shape_cast %get3A_173 : vector<1x512x512xf32> to vector<512x512xf32>
    %slice3A_175 = vector.extract_strided_slice %get3A_174 {offsets = [0, 0], sizes = [500, 500], strides = [1, 1]} : vector<512x512xf32> to vector<500x500xf32>
    %convert_element_type3A_176 = arith.truncf %slice3A_175 : vector<500x500xf32> to vector<500x500xbf16>
    %reduce_sum3A_177 = arith.constant dense<0.000000e+00> : vector<512xf32>
    %reduce_sum3A_178 = vector.multi_reduction <add>, %get3A_174, %reduce_sum3A_177 [1] : vector<512x512xf32> to vector<512xf32>
    %broadcast_in_dim3A_179 = vector.shape_cast %reduce_sum3A_178 : vector<512xf32> to vector<512x1xf32>
    %slice3A_180 = vector.extract_strided_slice %broadcast_in_dim3A_179 {offsets = [0, 0], sizes = [500, 1], strides = [1, 1]} : vector<512x1xf32> to vector<500x1xf32>
    %add3A_181 = arith.constant 1.000000e+00 : f32
    %add3A_182 = vector.broadcast %add3A_181 : f32 to vector<500x1xf32>
    %add3A_183 = arith.addf %slice3A_180, %add3A_182 : vector<500x1xf32>
    %sqrt3A_184 = math.sqrt %add3A_183 : vector<500x1xf32>
    %div3A_185 = arith.constant 1.000000e+00 : f32
    %div3A_186 = vector.broadcast %div3A_185 : f32 to vector<500x1xf32>
    %div3A_187 = arith.divf %div3A_186, %sqrt3A_184 : vector<500x1xf32>
    %mul3A_188 = vector.broadcast %div3A_187 : vector<500x1xf32> to vector<500x128xf32>
    %mul3A_189 = arith.mulf %dot_general3A_5, %mul3A_188 : vector<500x128xf32>
    %convert_element_type3A_190 = arith.truncf %mul3A_189 : vector<500x128xf32> to vector<500x128xbf16>
    %dot_general3A_191 = arith.constant dense<0.000000e+00> : vector<500x128xf32>
    %dot_general3A_192 = tpu.matmul %convert_element_type3A_176, %convert_element_type3A_190, %dot_general3A_191 {dimension_numbers = #tpu.dot_dimension_numbers<[1], [0], [0], [1], [0, 0, 1, 1], [], []>, transpose_lhs_hint = false} : vector<500x500xbf16>, vector<500x128xbf16>, vector<500x128xf32> -> vector<500x128xf32>
    %add3A_193 = arith.addf %dot_general3A_192, %mul3A_189 : vector<500x128xf32>
    %mul3A_194 = vector.broadcast %div3A_187 : vector<500x1xf32> to vector<500x128xf32>
    %mul3A_195 = arith.mulf %add3A_193, %mul3A_194 : vector<500x128xf32>
    %get3A_196 = arith.constant 0 : index
    %get3A_197 = arith.constant 0 : index
    %get3A_198 = vector.load %arg4[%get3A_196, %get3A_197] : memref<1x128xf32, #tpu.memory_space<vmem>>, vector<1x128xf32>
    %add3A_199 = vector.broadcast %get3A_198 : vector<1x128xf32> to vector<500x128xf32>
    %add3A_200 = arith.addf %mul3A_195, %add3A_199 : vector<500x128xf32>
    %max3A_201 = arith.constant 0.000000e+00 : f32
    %max3A_202 = vector.broadcast %max3A_201 : f32 to vector<500x128xf32>
    %max3A_203 = arith.maximumf %add3A_200, %max3A_202 : vector<500x128xf32>
    %get3A_204 = arith.constant 0 : index
    %get3A_205 = arith.constant 0 : index
    %get3A_206 = vector.load %arg5[%get3A_204, %get3A_205] : memref<128x128xf32, #tpu.memory_space<vmem>>, vector<128x128xf32>
    %dot_general3A_207 = arith.constant dense<0.000000e+00> : vector<500x128xf32>
    %dot_general3A_208 = tpu.matmul %max3A_203, %get3A_206, %dot_general3A_207 {dimension_numbers = #tpu.dot_dimension_numbers<[1], [0], [0], [1], [0, 0, 1, 1], [], []>, transpose_lhs_hint = false} : vector<500x128xf32>, vector<128x128xf32>, vector<500x128xf32> -> vector<500x128xf32>
    %mul3A_209 = vector.broadcast %div3A_187 : vector<500x1xf32> to vector<500x128xf32>
    %mul3A_210 = arith.mulf %dot_general3A_208, %mul3A_209 : vector<500x128xf32>
    %convert_element_type3A_211 = arith.truncf %mul3A_210 : vector<500x128xf32> to vector<500x128xbf16>
    %dot_general3A_212 = arith.constant dense<0.000000e+00> : vector<500x128xf32>
    %dot_general3A_213 = tpu.matmul %convert_element_type3A_176, %convert_element_type3A_211, %dot_general3A_212 {dimension_numbers = #tpu.dot_dimension_numbers<[1], [0], [0], [1], [0, 0, 1, 1], [], []>, transpose_lhs_hint = false} : vector<500x500xbf16>, vector<500x128xbf16>, vector<500x128xf32> -> vector<500x128xf32>
    %add3A_214 = arith.addf %dot_general3A_213, %mul3A_210 : vector<500x128xf32>
    %mul3A_215 = vector.broadcast %div3A_187 : vector<500x1xf32> to vector<500x128xf32>
    %mul3A_216 = arith.mulf %add3A_214, %mul3A_215 : vector<500x128xf32>
    %get3A_217 = arith.constant 0 : index
    %get3A_218 = arith.constant 0 : index
    %get3A_219 = vector.load %arg6[%get3A_217, %get3A_218] : memref<1x128xf32, #tpu.memory_space<vmem>>, vector<1x128xf32>
    %add3A_220 = vector.broadcast %get3A_219 : vector<1x128xf32> to vector<500x128xf32>
    %add3A_221 = arith.addf %mul3A_216, %add3A_220 : vector<500x128xf32>
    %max3A_222 = arith.constant 0.000000e+00 : f32
    %max3A_223 = vector.broadcast %max3A_222 : f32 to vector<500x128xf32>
    %max3A_224 = arith.maximumf %add3A_221, %max3A_223 : vector<500x128xf32>
    %swap3A_225 = arith.constant 1500 : index
    %swap3A_226 = arith.constant 0 : index
    %swap3A_227 = vector.load %arg7[%swap3A_225, %swap3A_226] : memref<2000x128xf32, #tpu.memory_space<vmem>>, vector<500x128xf32>
    tpu.vector_store %arg7[%swap3A_225, %swap3A_226], %max3A_224 {strides = array<i32>} : memref<2000x128xf32, #tpu.memory_space<vmem>>, vector<500x128xf32>,
    return
  }
  func.func @transform_0(%arg0: i32) -> (i32, i32, i32) {
    %c0_i32 = arith.constant 0 : i32
    %c0_i32_0 = arith.constant 0 : i32
    %c0_i32_1 = arith.constant 0 : i32
    return %arg0, %c0_i32, %c0_i32_0 : i32, i32, i32
  }
  func.func @transform_1(%arg0: i32) -> (i32, i32) {
    %c0_i32 = arith.constant 0 : i32
    %c0_i32_0 = arith.constant 0 : i32
    %c0_i32_1 = arith.constant 0 : i32
    return %c0_i32, %c0_i32_0 : i32, i32
  }
  func.func @transform_2(%arg0: i32) -> (i32, i32) {
    %c0_i32 = arith.constant 0 : i32
    %c0_i32_0 = arith.constant 0 : i32
    %c0_i32_1 = arith.constant 0 : i32
    return %c0_i32, %c0_i32_0 : i32, i32
  }
  func.func @transform_3(%arg0: i32) -> (i32, i32) {
    %c0_i32 = arith.constant 0 : i32
    %c0_i32_0 = arith.constant 0 : i32
    %c0_i32_1 = arith.constant 0 : i32
    return %c0_i32, %c0_i32_0 : i32, i32
  }
  func.func @transform_4(%arg0: i32) -> (i32, i32) {
    %c0_i32 = arith.constant 0 : i32
    %c0_i32_0 = arith.constant 0 : i32
    %c0_i32_1 = arith.constant 0 : i32
    return %c0_i32, %c0_i32_0 : i32, i32
  }
  func.func @transform_5(%arg0: i32) -> (i32, i32) {
    %c0_i32 = arith.constant 0 : i32
    %c0_i32_0 = arith.constant 0 : i32
    %c0_i32_1 = arith.constant 0 : i32
    return %c0_i32, %c0_i32_0 : i32, i32
  }
  func.func @transform_6(%arg0: i32) -> (i32, i32) {
    %c0_i32 = arith.constant 0 : i32
    %c0_i32_0 = arith.constant 0 : i32
    return %arg0, %c0_i32 : i32, i32
  }
}

</mosaic_0001>

<sc_bundles>
// kernel: kernel.4.cloned.1.call-start
scs
__scs_entry_jumppad:
0x0: {  	(pc) =	sbr.rel $0x88, $3  }
0x1: {  	(tag) =	ssettag $0x0;
	lr =	simm.s32 $0x1  }
0x2: {  	[smem:$0x3F9B] =	sst lr;
	_ =	strace $0xD0000000  }
0x3: {  	_ = 	snop  }
0x4: {  	_ = 	snop  }
0x5: {  	_ = 	snop  }
0x6: {  	_ = 	snop  }
0x7: {  	_ = 	snop  }
__scs_overlays_trampoline_lowered:
0x8: {  	[smem:$0x3FAA] =	sst s0  }
0x9: {  	[smem:$0x3FAB] =	sst s1  }
0xa: {  	[smem:$0x3FAC] =	sst s2  }
0xb: {  	[smem:$0x3FAD] =	sst s3  }
0xc: {  	[smem:$0x3FAE] =	sst s4  }
0xd: {  	[smem:$0x3FAF] =	sst s5  }
0xe: {  	[smem:$0x3FB0] =	sst s6  }
0xf: {  	[smem:$0x3FB1] =	sst s7  }
0x10: {  	[smem:$0x3FB2] =	sst s8  }
0x11: {  	[smem:$0x3FB3] =	sst s9;
	s0 =	simm.s32 @!p0 $0x0  }
0x12: {  	s1 =	sld [smem:$0x3F99];
	s0 =	simm.s32 @p0 $0x1  }
0x13: {  	[smem:$0x3FB4] =	sst s0;
	s0 =	simm.s32 @!p1 $0x0  }
0x14: {  	s2 =	sld [smem:$0x3F98];
	s0 =	simm.s32 @p1 $0x1  }
0x15: {  	[smem:$0x3FB5] =	sst s0;
	s0 =	simm.s32 @!p2 $0x0  }
0x16: {  	s3 =	sld [smem:$0x3FDB];
	s0 =	simm.s32 @p2 $0x1  }
0x17: {  	s4 =	simm.s32 $0x1BF5;
	[smem:$0x3FB7] =	sst s0  }
0x18: {  	s0 =	sld [smem:$0x3F9A];
	_ =	swait.ge [sflag:s4], $0x0  }
0x19: {  	s7 =	sld [smem:$0x3F9B]  }
0x1a: {  	s8 =	sadd.s32 $0xFFFFE003, lr  }
0x1b: {  	s9 =	sadd.s32 $0xFFFFFEF7, lr;
	s5 =	simm.s32 $0xFFFFFFFF;
	p2 =	slt.u32 s8, $0xFFFFF086  }
0x1c: {  	p1 =	slt.u32 s9, $0xF7A;
	s5 =	simm.s32 @!p2 $0x0  }
0x1d: {  	s5 =	simm.s32 @p1 $0x1;
	p0 =	seq.s32 s7, s2  }
0x1e: {  	s7 =	smul.u32 @!p0 $0xF7A, s2;
	p2 =	seq.s32 @!p0 s5, $0x0  }
0x1f: {  	s9 =	smul.u32 $0xF7A, s1;
	s8 =	simm.s32 @!p0 $0x1BF5;
	p2 =	por !p2, p0  }
0x20: {  	[sflag:s8] =	ssyncset.s32 @!p0 $0xFFFFF086;
	s6 =	sadd.s32 @!p0 s3, s7;
	s7 =	simm.s32 @!p0 $0x108  }
0x21: {  	s3 =	sadd.s32 s3, s9;
	s6 =	sadd.s32 @!p0 $0x88, s6;
	s7 =	simm.s32 @p2 $0x1082  }
0x22: {  	[simem:s7], [sflag:s8] =	dma.local @!p0 [hbm:s6], $0xF7A  }
0x23: {  	s9 =	sor.u32 $0xD0000000, s2;
	s6 =	simm.s32 $0x108;
	_ =	swait.ge @!p0 [sflag:s8], $0x0  }
0x24: {  	s3 =	sadd.s32 $0x88, s3;
	s6 =	simm.s32 @!p1 $0x1082;
	[sflag:s4] =	ssyncset.s32 $0xFFFFF086  }
0x25: {  	[simem:s6], [sflag:s4] =	dma.local [hbm:s3], $0xF7A  }
0x26: {  	[smem:$0x3F9B] =	sst s1;
	(tag) =	ssettag s2;
	_ =	strace s9  }
0x27: {  	s1 =	sld [smem:$0x3FAB]  }
0x28: {  	s2 =	sld [smem:$0x3FAC]  }
0x29: {  	s4 =	sld [smem:$0x3FAE]  }
0x2a: {  	p0 =	seq.s32 s5, $0x0;
	s5 =	sld [smem:$0x3FAF]  }
0x2b: {  	s6 =	sld [smem:$0x3FB0]  }
0x2c: {  	s7 =	sld [smem:$0x3FB1]  }
0x2d: {  	s3 =	simm.s32 $0x108;
	s8 =	sld [smem:$0x3FB2]  }
0x2e: {  	s3 =	simm.s32 @!p0 $0x1082;
	s9 =	sld [smem:$0x3FB3]  }
0x2f: {  	lr =	sadd.s32 s0, s3;
	s0 =	sld [smem:$0x3FAA]  }
0x30: {  	s3 =	sld [smem:$0x3FAD]  }
0x31: {  	[smem:$0x3FB6] =	sst s10  }
0x32: {  	s10 =	sld [smem:$0x3FB4];
	_ =	sdelay $0x3  }
0x33: {  	p0 =	seq.s32 s10, $0x1;
	s10 =	sld [smem:$0x3FB6];
	_ =	sdelay $0x3  }
0x34: {  	[smem:$0x3FB6] =	sst s10  }
0x35: {  	s10 =	sld [smem:$0x3FB5];
	_ =	sdelay $0x3  }
0x36: {  	p1 =	seq.s32 s10, $0x1;
	s10 =	sld [smem:$0x3FB6];
	_ =	sdelay $0x3  }
0x37: {  	[smem:$0x3FB6] =	sst s10  }
0x38: {  	s10 =	sld [smem:$0x3FB7]  }
0x39: {  	_ = 	snop;
	(pc) =	sbr.ind lr, $3  }
0x3a: {  	_ = 	snop  }
0x3b: {  	_ = 	snop  }
0x3c: {  	p2 =	seq.s32 s10, $0x1;
	s10 =	sld [smem:$0x3FB6]  }
0x3d: {  	_ =	shalt  }
0x3e: {  	_ =	shalt  }
0x3f: {  	_ =	shalt  }
0x40: {  	_ =	shalt  }
0x41: {  	_ =	shalt  }
0x42: {  	_ =	shalt  }
0x43: {  	_ =	shalt  }
0x44: {  	_ =	shalt  }
0x45: {  	_ =	shalt  }
0x46: {  	_ =	shalt  }
0x47: {  	_ =	shalt  }
0x48: {  	_ =	shalt  }
0x49: {  	_ =	shalt  }
0x4a: {  	_ =	shalt  }
0x4b: {  	_ =	shalt  }
0x4c: {  	_ =	shalt  }
0x4d: {  	_ =	shalt  }
0x4e: {  	_ =	shalt  }
0x4f: {  	_ =	shalt  }
0x50: {  	_ =	shalt  }
0x51: {  	_ =	shalt  }
0x52: {  	_ =	shalt  }
0x53: {  	_ =	shalt  }
0x54: {  	_ =	shalt  }
0x55: {  	_ =	shalt  }
0x56: {  	_ =	shalt  }
0x57: {  	_ =	shalt  }
0x58: {  	_ =	shalt  }
0x59: {  	_ =	shalt  }
0x5a: {  	_ =	shalt  }
0x5b: {  	_ =	shalt  }
0x5c: {  	_ =	shalt  }
0x5d: {  	_ =	shalt  }
0x5e: {  	_ =	shalt  }
0x5f: {  	_ =	shalt  }
0x60: {  	_ =	shalt  }
0x61: {  	_ =	shalt  }
0x62: {  	_ =	shalt  }
0x63: {  	_ =	shalt  }
0x64: {  	_ =	shalt  }
0x65: {  	_ =	shalt  }
0x66: {  	_ =	shalt  }
0x67: {  	_ =	shalt  }
0x68: {  	_ =	shalt  }
0x69: {  	_ =	shalt  }
0x6a: {  	_ =	shalt  }
0x6b: {  	_ =	shalt  }
0x6c: {  	_ =	shalt  }
0x6d: {  	_ =	shalt  }
0x6e: {  	_ =	shalt  }
0x6f: {  	_ =	shalt  }
0x70: {  	_ =	shalt  }
0x71: {  	_ =	shalt  }
0x72: {  	_ =	shalt  }
0x73: {  	_ =	shalt  }
0x74: {  	_ =	shalt  }
0x75: {  	_ =	shalt  }
0x76: {  	_ =	shalt  }
0x77: {  	_ =	shalt  }
0x78: {  	_ =	shalt  }
0x79: {  	_ =	shalt  }
0x7a: {  	_ =	shalt  }
0x7b: {  	_ =	shalt  }
0x7c: {  	_ =	shalt  }
0x7d: {  	_ =	shalt  }
0x7e: {  	_ =	shalt  }
0x7f: {  	_ =	shalt  }
0x80: {  	_ =	shalt  }
0x81: {  	_ =	shalt  }
0x82: {  	_ =	shalt  }
0x83: {  	_ =	shalt  }
0x84: {  	_ =	shalt  }
0x85: {  	_ =	shalt  }
0x86: {  	_ =	shalt  }
0x87: {  	_ =	shalt  }
.Lfunc_end0:
.L_simem_size_0:
called_computation_lowered:
.L_overlay_start_0:
0x88: {  	s2 =	sld [smem:$0x3FD9]  }
0x89: {  	s3 =	sld [smem:$0x3FFE];
	_ =	sdelay $0x1  }
0x8a: {  	s1 =	srdreg.scid  }
0x8b: {  	s0 =	sand.u32 $0x1, s1  }
0x8c: {  	s17 =	sshll.u32 s0, $0xA;
	s2 =	sadd.s32 s3, s2  }
0x8d: {  	s2 =	sadd.s32 s2, s17  }
0x8e: {  	[smem:$0x3FC2] =	sst s2  }
0x8f: {  	_ = 	snop  }
0x90: {  	s2 =	sld [smem:$0x3FC9];
	(tm) =	ssettm $0x1  }
0x91: {  	s18 =	sld [smem:$0x3FFB];
	_ =	sdelay $0x3  }
0x92: {  	_ =	strace s18  }
0x93: {  	s3 =	sld [smem:$0x3FFC];
	_ =	sdelay $0x3  }
0x94: {  	_ =	strace s3  }
0x95: {  	s3 =	sld [smem:$0x3FFD];
	_ =	sdelay $0x3  }
0x96: {  	_ =	strace s3  }
0x97: {  	_ =	strace $0x8FFFFFFF  }
0x98: {  	s19 =	sld [smem:$0x3FDB];
	_ =	sdelay $0x1  }
0x99: {  	s4 =	simm.s32 $_scs_section_size  }
0x9a: {  	s5 =	simm.s32 $_size__tile_overlayer_lowered;
	s6 =	simm.s32 $_tile_overlayer_lowered  }
0x9b: {  	s22 =	simm.s32 $0x1BFF;
	s21 =	sshll.u32 s6, $0x1;
	s3 =	sadd.s32 s4, s19  }
0x9c: {  	s7 =	simm.s32 $0x0;
	s20 =	sshll.u32 s5, $0x1;
	s5 =	sadd.s32 s21, s3  }
0x9d: {  	[timem:s7], [sflag:s22] =	dma.local [hbm:s5], s20  }
0x9e: {  	_ =	swait.ge [sflag:s22], s20  }
0x9f: {  	s4 =	ssub.s32 $0x0, s20;
	[sflag:s22] =	ssyncset.done $0x0  }
0xa0: {  	[sflag:s22] =	ssyncadd.s32 s4;
	_ =	sdelay $0x1  }
0xa1: {  	s23 =	simm.s32 $0x1B8B  }
0xa2: {  	_ =	swait.ge [sflag:s23], $0x1  }
0xa3: {  	[sflag:s23] =	ssyncset.done $0x0  }
0xa4: {  	s25 =	simm.s32 $0x1B8E;
	s24 =	sld [smem:$0x3FFE];
	[sflag:s23] =	ssyncadd.s32 $0xFFFFFFFF  }
0xa5: {  	s26 =	simm.s32 $execute0_lowered;
	[smem:$0x3FD2] =	sst s25  }
0xa6: {  	s5 =	sshll.u32 s26, $0x1;
	_ =	strace $0x80000046;
	[dreg:$0x1] =	wrdreg $0xFFFFFFFF  }
0xa7: {  	s28 =	simm.s32 $_size_execute0_lowered;
	s3 =	sadd.s32 s3, s5;
	[dreg:$0x0] =	wrdreg $0x0  }
0xa8: {  	s5 =	sshll.u32 s28, $0x1;
	[dreg:$0x2] =	wrdreg s3  }
0xa9: {  	[dreg:$0x3] =	wrdreg s5  }
0xaa: {  	[dreg:$0x4] =	wrdreg $0xC0  }
0xab: {  	_ =	task [dreg:s7], $0x5FFFF  }
0xac: {  	[dreg:$0x1] =	wrdreg $0xFFFFFFFF  }
0xad: {  	[dreg:$0x0] =	wrdreg $0x60  }
0xae: {  	[dreg:$0x2] =	wrdreg s2  }
0xaf: {  	[dreg:$0x3] =	wrdreg s24  }
0xb0: {  	[dreg:$0x4] =	wrdreg $0x9  }
0xb1: {  	_ =	task.clear_ibuf [dreg:s7], $0x5FFFF;
	_ =	strace $0x90000046  }
0xb2: {  	s29 =	simm.s32 $0x9;
	_ =	strace $0x80000048  }
0xb3: {  	_ =	swait.ge [sflag:s29], $0x1  }
0xb4: {  	[sflag:s29] =	ssyncadd.s32 $0xFFFFFFFF  }
0xb5: {  	_ =	strace $0x90000048  }
0xb6: {  	_ =	sfence  }
0xb7: {  	s30 =	sld [smem:$0x0];
	_ =	sdelay $0x2  }
0xb8: {  	s31 =	sshll.u32 s1, $0xD;
	s1 =	sshrl.u32 s1, $0x2  }
0xb9: {  	s3 =	sand.u32 $0x4000, s31;
	s1 =	sadd.s32 s1, s30  }
0xba: {  	s0 =	sor.u32 s3, s0;
	s1 =	sshll.u32 s1, $0x11  }
0xbb: {  	s0 =	sor.u32 s1, s0  }
0xbc: {  	s0 =	sadd.s32 $0x8F2B, s0  }
0xbd: {  	[sflag:s0] =	ssyncadd.remote.s32 $0x1  }
0xbe: {  	_ =	sfence.sel $0xFFFF  }
0xbf: {  	[dreg:$0x0] =	wrdreg $0xFFFFFFFF;
	(pc) =	sbr.abs _section_cstart, $3  }
0xc0: {  	[dreg:$0x1] =	wrdreg $0xFFFFFFFF  }
0xc1: {  	_ =	task.clear_ibuf [dreg:s7], $0x2FFFF;
	_ =	strace $0x9FFFFFFF  }
0xc2: {  	(tm) =	ssettm $0x7FFFFFFF  }
0xc3: {  	_ =	shalt  }
tec
execute0_lowered:
.L_overlay_start_1:
0x0: {  	(tag) =	ssettag $0x1  }
0x1: {  	s3 =	rddreg [dreg:$0x0]  }
0x2: {  	s2 =	rddreg [dreg:$0x1];
	s1 =	simm.s32 $0x0;
	s4 =	srdreg.scid  }
0x3: {  	s0 =	stileid.u32;
	s12 =	simm.s32 $0x17D00;
	s14 =	simm.s32 $0x2  }
0x4: {  	s15 =	simm.s32 $0x0;
	[smem:$0x7FF] =	sst s1;
	s5 =	sadd.s32 $0x1000, s2  }
0x5: {  	s4 =	sand.u32 $0x1, s4;
	s7 =	sshll.u32 s0, $0x1;
	s8 =	sshrl.u32 s0, $0x1  }
0x6: {  	s30 =	sshll.u32 s0, $0xE;
	p0 =	sgt.u32 s0, $0x7;
	_ =	strace $0x80000047  }
0x7: {  	s6 =	ssub.s32 $0x2, s4;
	s4 =	sor.u32 s4, s7;
	s28 =	smul.u32 $0xFA0, s8  }
0x8: {  	s31 =	sand.u32 $0x38000, s30;
	s8 =	sshll.u32 s8, $0xF;
	s9 =	sshrl.u32 s6, $0x1  }
0x9: {  	s29 =	sand.u32 $0x3, s4;
	s4 =	sshll.u32 s4, $0x7;
	s8 =	sadd.s32 s5, s8  }
0xa: {  	s9 =	ssub.s32 s6, s9;
	s3 =	sadd.s32 s3, s28;
	s13 =	sand.u32 $0x180, s4  }
.Ltmp0:
0xb: {  	s11 =	sshll.u32 s29, $0x7;
	s6 =	sshll.u32 s29, $0xD;
	(pc) =	sbr.rel .LBB2_1-.Ltmp0, $4  }
0xc: {  	s10 =	sshll.u32 s13, $0x6;
	s4 =	sadd.s32 $0x7D00, s3;
	s9 =	smax.u32 s9, $0x1  }
0xd: {  	v0 =	vmov s11;
	s11 =	simm.s32 $0x1;
	v1 =	vmov s13;
	s13 =	simm.s32 $0x3;
	s7 =	sor.u32 s31, s10  }
0xe: {  	s10 =	sadd.s32 s7, s5;
	s5 =	sadd.s32 s6, s8;
	s6 =	sadd.s32 $0xFA00, s3  }
0xf: {  	v2 =	vimm.f32 $0.0e+00;
	v3 =	vimm.f32 $1.000000000e+00;
	s7 =	sadd.s32 $0x40000, s10;
	s8 =	sadd.s32 $0x80000, s10;
	s10 =	simm.s32 $0x10000  }
.LBB2_14:
0x10: {  	v17 =	vshll.u32 v6, $0x9;
	v18 =	vshll.u32 v5, $0x9  }
0x11: {  	v19 =	vshll.u32 v4, $0x3;
	v20 =	vshll.u32 v7, $0x3;
	v61 =	vshll.u32 v12, $0x9  }
0x12: {  	v62 =	vshll.u32 v10, $0x3;
	v14 =	vshll.u32 v14, $0x7;
	v8 =	vshll.u32 v8, $0x7  }
0x13: {  	v11 =	vshll.u32 v11, $0x7;
	v63 =	vand.u32 $0x7F, v7;
	vm4 =	vlt.u32 v5, $0x80  }
0x14: {  	v5 =	vand.u32 $0x7F, v10;
	v4 =	vand.u32 $0x7F, v4;
	vm15 =	vlt.u32 v6, $0x80  }
0x15: {  	v17 =	vand.u32 $0xFFFFF000, v17;
	v18 =	vand.u32 $0xFFFFF000, v18;
	v19 =	vand.u32 $0xFFFFFC00, v19  }
0x16: {  	v20 =	vand.u32 $0xFFFFFC00, v20;
	v14 =	vand.u32 $0x380, v14;
	v8 =	vand.u32 $0x380, v8  }
0x17: {  	v11 =	vand.u32 $0x380, v11;
	v17 =	vadd.s32 v19, v17;
	v18 =	vadd.s32 v20, v18  }
0x18: {  	v19 =	vand.u32 $0xFFFFF000, v61;
	v20 =	vand.u32 $0xFFFFFC00, v62;
	v8 =	vor.u32 v8, v18  }
0x19: {  	v19 =	vadd.s32 v20, v19;
	v14 =	vor.u32 v14, v17;
	v7 =	vor.u32 v63, v8  }
0x1a: {  	vm5 =	vlt.u32 v12, $0x80;
	[tilespmem:v15+s1+$0x0] =	vst.idx.add.f32.msk vm3, v3;
	v11 =	vor.u32 v11, v19;
	v4 =	vor.u32 v4, v14  }
0x1b: {  	[tilespmem:v13+s1+$0x0] =	vst.idx.add.f32.msk vm0, v3;
	v5 =	vor.u32 v5, v11  }
0x1c: {  	[tilespmem:v9+s1+$0x0] =	vst.idx.add.f32.msk vm1, v3  }
0x1d: {  	[tilespmem:v16+s1+$0x0] =	vst.idx.add.f32.msk vm2, v3  }
0x1e: {  	[tilespmem:v7+s1+$0x0] =	vst.idx.add.f32.msk vm4, v3  }
0x1f: {  	[tilespmem:v4+s1+$0x0] =	vst.idx.add.f32.msk vm15, v3  }
0x20: {  	[tilespmem:v5+s1+$0x0] =	vst.idx.add.f32.msk vm5, v3  }
0x21: {  	[hbm4b:s8+s1] =	stream.linear.scatter [tilespmem:s1], [sflag:$0x3], $0x10000, $0x38;
	[tilespmem:$0x1FA00] =	vst v63  }
0x22: {  	_ =	swait.ge [sflag:s13], $0x10000  }
0x23: {  	[sflag:s13] =	ssyncset.done $0x0  }
0x24: {  	[sflag:s13] =	ssyncadd.s32 $0xFFFF0000  }
.LBB2_15:
0x25: {  	s15 =	sadd.s32 $0x1, s15  }
0x26: {  	p1 =	sne.s32 s15, s9  }
.Ltmp1:
0x27: {  	_ = 	snop;
	(pc) =	sbr.rel @!p1 .LBB2_16-.Ltmp1, $1  }
0x28: {  	_ =	sdelay $0x3  }
.LBB2_1:
0x29: {  	[tilespmem:s10], [sflag:$0x1] =	stream.linear.gather [hbm4b:s3+s1], $0x7D00, $0x38;
	[tilespmem:$0x1FA00] =	vst v63  }
0x2a: {  	_ =	swait.ge [sflag:s11], $0x7D00  }
0x2b: {  	s16 =	sand.u32 $0xF000, s1;
	s17 =	sand.u32 $0x300, s1;
	[sflag:s11] =	ssyncset.done $0x0  }
0x2c: {  	s16 =	sor.u32 s17, s16;
	[sflag:s11] =	ssyncadd.s32 $0xFFFF8300  }
0x2d: {  	[tilespmem:s12], [sflag:$0x2] =	stream.linear.gather [hbm4b:s4+s1], $0x7D00, $0x38;
	[tilespmem:$0x1FA00] =	vst v63  }
0x2e: {  	[tilespmem:s16+$0x80] =	vst v2  }
0x2f: {  	[tilespmem:s16+$0x90] =	vst v2  }
0x30: {  	[tilespmem:s16+$0xA0] =	vst v2  }
0x31: {  	[tilespmem:s16+$0xB0] =	vst v2  }
0x32: {  	[tilespmem:s16+$0xC0] =	vst v2  }
0x33: {  	[tilespmem:s16+$0xD0] =	vst v2  }
0x34: {  	[tilespmem:s16+$0xE0] =	vst v2  }
0x35: {  	[tilespmem:s16+$0xF0] =	vst v2  }
0x36: {  	[tilespmem:s16+$0x480] =	vst v2  }
0x37: {  	[tilespmem:s16+$0x490] =	vst v2  }
0x38: {  	[tilespmem:s16+$0x4A0] =	vst v2  }
0x39: {  	[tilespmem:s16+$0x4B0] =	vst v2  }
0x3a: {  	[tilespmem:s16+$0x4C0] =	vst v2  }
0x3b: {  	[tilespmem:s16+$0x4D0] =	vst v2  }
0x3c: {  	[tilespmem:s16+$0x4E0] =	vst v2  }
0x3d: {  	[tilespmem:s16+$0x4F0] =	vst v2  }
0x3e: {  	[tilespmem:s16+$0x880] =	vst v2  }
0x3f: {  	[tilespmem:s16+$0x890] =	vst v2  }
0x40: {  	[tilespmem:s16+$0x8A0] =	vst v2  }
0x41: {  	[tilespmem:s16+$0x8B0] =	vst v2  }
0x42: {  	[tilespmem:s16+$0x8C0] =	vst v2  }
0x43: {  	[tilespmem:s16+$0x8D0] =	vst v2  }
0x44: {  	[tilespmem:s16+$0x8E0] =	vst v2  }
0x45: {  	[tilespmem:s16+$0x8F0] =	vst v2  }
0x46: {  	[tilespmem:s16+$0x0] =	vst v2  }
0x47: {  	[tilespmem:s16+$0x10] =	vst v2  }
0x48: {  	[tilespmem:s16+$0x20] =	vst v2  }
0x49: {  	[tilespmem:s16+$0x30] =	vst v2  }
0x4a: {  	[tilespmem:s16+$0x40] =	vst v2  }
0x4b: {  	[tilespmem:s16+$0x50] =	vst v2  }
0x4c: {  	[tilespmem:s16+$0x60] =	vst v2  }
0x4d: {  	[tilespmem:s16+$0x70] =	vst v2  }
0x4e: {  	[tilespmem:s16+$0x400] =	vst v2  }
0x4f: {  	[tilespmem:s16+$0x410] =	vst v2  }
0x50: {  	[tilespmem:s16+$0x420] =	vst v2  }
0x51: {  	[tilespmem:s16+$0x430] =	vst v2  }
0x52: {  	[tilespmem:s16+$0x440] =	vst v2  }
0x53: {  	[tilespmem:s16+$0x450] =	vst v2  }
0x54: {  	[tilespmem:s16+$0x460] =	vst v2  }
0x55: {  	s19 =	sand.u32 $0x3, s1;
	[tilespmem:s16+$0x470] =	vst v2  }
0x56: {  	s17 =	sshll.u32 s19, $0x8;
	[tilespmem:s16+$0x800] =	vst v2  }
0x57: {  	s17 =	sadd.s32 $0x0, s17;
	[tilespmem:s16+$0x810] =	vst v2  }
0x58: {  	s18 =	sadd.s32 $0x80, s17;
	[tilespmem:s16+$0x820] =	vst v2  }
0x59: {  	s19 =	sor.u32 $0xC00, s18;
	[tilespmem:s16+$0x830] =	vst v2  }
0x5a: {  	s26 =	sor.u32 $0xC00, s17;
	[tilespmem:s19+$0x0] =	vst v2  }
0x5b: {  	s20 =	sor.u32 $0xC10, s18;
	[tilespmem:s26+$0x0] =	vst v2  }
0x5c: {  	[tilespmem:s20+$0x0] =	vst v2  }
0x5d: {  	[tilespmem:s16+$0x840] =	vst v2  }
0x5e: {  	[tilespmem:s16+$0x850] =	vst v2  }
0x5f: {  	[tilespmem:s16+$0x860] =	vst v2  }
0x60: {  	s21 =	sor.u32 $0xC20, s18;
	[tilespmem:s16+$0x870] =	vst v2  }
0x61: {  	s28 =	sor.u32 $0xC10, s17;
	[tilespmem:s21+$0x0] =	vst v2  }
0x62: {  	s22 =	sor.u32 $0xC30, s18;
	[tilespmem:s28+$0x0] =	vst v2  }
0x63: {  	s29 =	sor.u32 $0xC20, s17;
	[tilespmem:s22+$0x0] =	vst v2  }
0x64: {  	s23 =	sor.u32 $0xC40, s18;
	[tilespmem:s29+$0x0] =	vst v2  }
0x65: {  	s30 =	sor.u32 $0xC30, s17;
	[tilespmem:s23+$0x0] =	vst v2  }
0x66: {  	s24 =	sor.u32 $0xC50, s18;
	[tilespmem:s30+$0x0] =	vst v2  }
0x67: {  	s31 =	sor.u32 $0xC40, s17;
	[tilespmem:s24+$0x0] =	vst v2  }
0x68: {  	s25 =	sor.u32 $0xC60, s18;
	[tilespmem:s31+$0x0] =	vst v2  }
0x69: {  	p1 =	por $0x0, $0x0;
	s18 =	sor.u32 $0xC70, s18;
	s20 =	sor.u32 $0xC50, s17;
	[tilespmem:s25+$0x0] =	vst v2  }
0x6a: {  	s19 =	simm.s32 $0x0;
	s16 =	simm.s32 $0x0;
	s21 =	sor.u32 $0xC70, s17;
	[tilespmem:s20+$0x0] =	vst v2  }
0x6b: {  	s22 =	sor.u32 $0xC60, s17;
	s17 =	simm.s32 $0x100;
	[tilespmem:s18+$0x0] =	vst v2;
	s18 =	simm.s32 $0x400  }
.LBB2_2:
0x6c: {  	s20 =	sand.u32 $0xF000, s18;
	s23 =	sand.u32 $0x300, s17;
	[tilespmem:s22+$0x0] =	vst v2  }
0x6d: {  	s20 =	sor.u32 s23, s20;
	[tilespmem:s21+$0x0] =	vst v2  }
0x6e: {  	[tilespmem:s20+$0x80] =	vst v2  }
0x6f: {  	[tilespmem:s20+$0x90] =	vst v2  }
0x70: {  	[tilespmem:s20+$0xA0] =	vst v2  }
0x71: {  	[tilespmem:s20+$0xB0] =	vst v2  }
0x72: {  	[tilespmem:s20+$0xC0] =	vst v2  }
0x73: {  	[tilespmem:s20+$0xD0] =	vst v2  }
0x74: {  	[tilespmem:s20+$0xE0] =	vst v2  }
0x75: {  	[tilespmem:s20+$0xF0] =	vst v2  }
0x76: {  	[tilespmem:s20+$0x480] =	vst v2  }
0x77: {  	[tilespmem:s20+$0x490] =	vst v2  }
0x78: {  	[tilespmem:s20+$0x4A0] =	vst v2  }
0x79: {  	[tilespmem:s20+$0x4B0] =	vst v2  }
0x7a: {  	[tilespmem:s20+$0x4C0] =	vst v2  }
0x7b: {  	[tilespmem:s20+$0x4D0] =	vst v2  }
0x7c: {  	[tilespmem:s20+$0x4E0] =	vst v2  }
0x7d: {  	[tilespmem:s20+$0x4F0] =	vst v2  }
0x7e: {  	[tilespmem:s20+$0x880] =	vst v2  }
0x7f: {  	[tilespmem:s20+$0x890] =	vst v2  }
0x80: {  	s19 =	sadd.s32 $0x1, s19;
	[tilespmem:s20+$0x8A0] =	vst v2  }
0x81: {  	s21 =	sand.u32 $0x3, s19;
	[tilespmem:s20+$0x8B0] =	vst v2  }
0x82: {  	s21 =	sshll.u32 s21, $0x8;
	[tilespmem:s20+$0x8C0] =	vst v2  }
0x83: {  	s21 =	sadd.s32 s21, s18;
	[tilespmem:s20+$0x8D0] =	vst v2  }
0x84: {  	s29 =	sor.u32 $0xC00, s21;
	s23 =	sor.u32 $0xC10, s21;
	s30 =	sadd.s32 $0x80, s21;
	[tilespmem:s20+$0x8E0] =	vst v2  }
0x85: {  	s25 =	sor.u32 $0xC20, s21;
	s24 =	sor.u32 $0xC30, s21;
	s22 =	sor.u32 $0xC00, s30;
	[tilespmem:s20+$0x8F0] =	vst v2  }
0x86: {  	s28 =	sor.u32 $0xC40, s21;
	s26 =	sor.u32 $0xC50, s21;
	s31 =	sor.u32 $0xC10, s30;
	[tilespmem:s22+$0x0] =	vst v2  }
0x87: {  	s22 =	sor.u32 $0xC60, s21;
	s21 =	sor.u32 $0xC70, s21;
	[tilespmem:s31+$0x0] =	vst v2;
	s31 =	sor.u32 $0xC20, s30  }
0x88: {  	s16 =	sadd.s32 $0x2, s16;
	[tilespmem:s31+$0x0] =	vst v2;
	s31 =	sor.u32 $0xC30, s30  }
0x89: {  	p2 =	slt.u32 s16, $0x7E;
	[tilespmem:s31+$0x0] =	vst v2;
	s31 =	sor.u32 $0xC40, s30  }
0x8a: {  	[tilespmem:s31+$0x0] =	vst v2;
	s31 =	sor.u32 $0xC50, s30  }
0x8b: {  	[tilespmem:s31+$0x0] =	vst v2;
	s31 =	sor.u32 $0xC60, s30  }
0x8c: {  	s30 =	sor.u32 $0xC70, s30;
	[tilespmem:s31+$0x0] =	vst v2  }
0x8d: {  	[tilespmem:s30+$0x0] =	vst v2;
	s30 =	simm.s32 $0x0  }
0x8e: {  	[tilespmem:s20+$0x0] =	vst v2  }
0x8f: {  	[tilespmem:s20+$0x10] =	vst v2  }
0x90: {  	[tilespmem:s20+$0x20] =	vst v2  }
0x91: {  	[tilespmem:s20+$0x30] =	vst v2  }
0x92: {  	[tilespmem:s20+$0x40] =	vst v2  }
0x93: {  	[tilespmem:s20+$0x50] =	vst v2  }
0x94: {  	[tilespmem:s20+$0x60] =	vst v2  }
0x95: {  	[tilespmem:s20+$0x70] =	vst v2  }
0x96: {  	[tilespmem:s20+$0x400] =	vst v2  }
0x97: {  	[tilespmem:s20+$0x410] =	vst v2  }
0x98: {  	[tilespmem:s20+$0x420] =	vst v2  }
0x99: {  	[tilespmem:s20+$0x430] =	vst v2  }
0x9a: {  	[tilespmem:s20+$0x440] =	vst v2  }
0x9b: {  	[tilespmem:s20+$0x450] =	vst v2  }
0x9c: {  	[tilespmem:s20+$0x460] =	vst v2  }
0x9d: {  	[tilespmem:s20+$0x470] =	vst v2  }
0x9e: {  	[tilespmem:s20+$0x800] =	vst v2  }
0x9f: {  	[tilespmem:s20+$0x810] =	vst v2  }
0xa0: {  	[tilespmem:s20+$0x820] =	vst v2  }
0xa1: {  	[tilespmem:s20+$0x830] =	vst v2  }
0xa2: {  	[tilespmem:s29+$0x0] =	vst v2  }
0xa3: {  	[tilespmem:s20+$0x840] =	vst v2  }
0xa4: {  	[tilespmem:s20+$0x850] =	vst v2  }
0xa5: {  	[tilespmem:s20+$0x860] =	vst v2  }
0xa6: {  	[tilespmem:s20+$0x870] =	vst v2  }
.Ltmp2:
0xa7: {  	[tilespmem:s23+$0x0] =	vst v2;
	(pc) =	sbr.rel @p2 .LBB2_2-.Ltmp2, $4  }
0xa8: {  	[tilespmem:s25+$0x0] =	vst v2  }
0xa9: {  	[tilespmem:s24+$0x0] =	vst v2  }
0xaa: {  	[tilespmem:s28+$0x0] =	vst v2  }
0xab: {  	s17 =	sadd.s32 $0x100, s17;
	s18 =	sadd.s32 $0x400, s18;
	[tilespmem:s26+$0x0] =	vst v2  }
0xac: {  	[tilespmem:s22+$0x0] =	vst v2;
	s18 =	sand.u32 $0x40, s30;
	s19 =	sand.u32 $0x7F00, s30  }
0xad: {  	s16 =	simm.s32 $0x1;
	[tilespmem:s21+$0x0] =	vst v2;
	s18 =	sor.u32 s18, s19  }
0xae: {  	s16 =	simm.s32 @!p1 $0x0;
	v5 =	vld [tilespmem:s18+$0x10030]  }
0xaf: {  	s16 =	sshll.u32 s16, $0x6;
	v9 =	vld [tilespmem:s18+$0x10000]  }
0xb0: {  	v11 =	vld [tilespmem:s18+$0x10010];
	s16 =	sadd.s32 $0x0, s16  }
0xb1: {  	v14 =	vld [tilespmem:s18+$0x10020];
	s17 =	sadd.s32 $0x30, s16  }
0xb2: {  	s20 =	sadd.s32 $0x10, s16;
	s17 =	sor.u32 $0x80, s17  }
0xb3: {  	s23 =	sor.u32 $0x80, s20;
	v4 =	vld [tilespmem:s17+$0x10000]  }
0xb4: {  	v6 =	vld [tilespmem:s23+$0x10000]  }
0xb5: {  	s24 =	sadd.s32 $0x20, s16;
	s16 =	sor.u32 $0x80, s16;
	v13 =	vshll.u32 v5, $0x3;
	v5 =	vand.u32 $0x7F, v5;
	v17 =	vshll.u32 v9, $0x3  }
0xb6: {  	v8 =	vld [tilespmem:s16+$0x10000];
	v18 =	vshll.u32 v11, $0x3;
	v19 =	vshll.u32 v14, $0x3;
	v9 =	vand.u32 $0x7F, v9  }
0xb7: {  	v14 =	vand.u32 $0x7F, v14;
	v13 =	vand.u32 $0xFFFFFC00, v13;
	v17 =	vand.u32 $0xFFFFFC00, v17  }
0xb8: {  	v18 =	vand.u32 $0xFFFFFC00, v18;
	v19 =	vand.u32 $0xFFFFFC00, v19;
	v10 =	vsub.s32 v4, v0  }
0xb9: {  	p1 =	por !p1, !p1;
	s19 =	sor.u32 $0x80, s24;
	s16 =	simm.s32 $0x1;
	v4 =	vshll.u32 v4, $0x7;
	v16 =	vsub.s32 v6, v0;
	v12 =	vshll.u32 v10, $0x9  }
0xba: {  	v7 =	vld [tilespmem:s19+$0x10000];
	s16 =	simm.s32 @!p1 $0x0;
	v6 =	vshll.u32 v6, $0x7;
	v4 =	vand.u32 $0x380, v4;
	v12 =	vand.u32 $0xFFFFF000, v12  }
0xbb: {  	s16 =	sshll.u32 s16, $0x6;
	vm2 =	vlt.u32 v10, $0x80;
	v10 =	vsub.s32 v8, v0;
	v12 =	vadd.s32 v13, v12  }
0xbc: {  	s25 =	sadd.s32 $0x80, s16;
	v8 =	vshll.u32 v8, $0x7;
	v6 =	vand.u32 $0x380, v6;
	v4 =	vor.u32 v4, v12  }
0xbd: {  	s17 =	simm.s32 $0x40;
	s16 =	simm.s32 $0x80;
	s26 =	sadd.s32 $0x30, s25;
	vm3 =	vlt.u32 v16, $0x80;
	v4 =	vor.u32 v5, v4;
	v5 =	vshll.u32 v10, $0x9  }
0xbe: {  	s28 =	sand.u32 $0x40, s17;
	s29 =	sand.u32 $0x7F00, s16;
	s19 =	sor.u32 $0x80, s26;
	v8 =	vand.u32 $0x380, v8;
	v13 =	vshll.u32 v16, $0x9;
	v5 =	vand.u32 $0xFFFFF000, v5  }
0xbf: {  	s20 =	sor.u32 s28, s29;
	v12 =	vsub.s32 v7, v0;
	v13 =	vand.u32 $0xFFFFF000, v13;
	v5 =	vadd.s32 v17, v5;
	v17 =	vld [tilespmem:s19+$0x10000]  }
0xc0: {  	s31 =	sadd.s32 $0x20, s25;
	v7 =	vshll.u32 v7, $0x7;
	v15 =	vshll.u32 v12, $0x9;
	v13 =	vadd.s32 v18, v13;
	v18 =	vld [tilespmem:s20+$0x10030]  }
0xc1: {  	s30 =	sadd.s32 $0x10, s25;
	s21 =	sor.u32 $0x80, s31;
	vm1 =	vlt.u32 v10, $0x80;
	v7 =	vand.u32 $0x380, v7;
	v15 =	vand.u32 $0xFFFFF000, v15  }
0xc2: {  	v6 =	vor.u32 v6, v13;
	v13 =	vand.u32 $0x7F, v11;
	v11 =	vld [tilespmem:s21+$0x10000];
	v15 =	vadd.s32 v19, v15;
	s19 =	sor.u32 $0x80, s30  }
0xc3: {  	s18 =	sor.u32 $0x80, s25;
	vm0 =	vlt.u32 v12, $0x80;
	v5 =	vor.u32 v8, v5;
	v7 =	vor.u32 v7, v15;
	v8 =	vld [tilespmem:s19+$0x10000]  }
0xc4: {  	v15 =	vor.u32 v13, v6;
	v13 =	vor.u32 v14, v7;
	v14 =	vld [tilespmem:s18+$0x10000];
	v6 =	vsub.s32 v17, v0  }
0xc5: {  	v9 =	vor.u32 v9, v5;
	v7 =	vshll.u32 v18, $0x3;
	[tilespmem:v4+s1+$0x0] =	vst.idx.add.f32.msk vm2, v3;
	v5 =	vshll.u32 v6, $0x9  }
0xc6: {  	v4 =	vld [tilespmem:s20+$0x10000];
	v7 =	vand.u32 $0xFFFFFC00, v7;
	v12 =	vshll.u32 v17, $0x7;
	v10 =	vand.u32 $0xFFFFF000, v5  }
0xc7: {  	v12 =	vand.u32 $0x380, v12;
	v10 =	vadd.s32 v7, v10;
	v7 =	vld [tilespmem:s20+$0x10010]  }
0xc8: {  	v17 =	vor.u32 v12, v10;
	v10 =	vld [tilespmem:s20+$0x10020]  }
0xc9: {  	v16 =	vand.u32 $0x7F, v18;
	vm2 =	vlt.u32 v6, $0x80;
	v5 =	vsub.s32 v8, v0  }
0xca: {  	p1 =	por !p1, !p1;
	s18 =	simm.s32 $0x4;
	v6 =	vsub.s32 v14, v0;
	v12 =	vsub.s32 v11, v0;
	v16 =	vor.u32 v16, v17  }
.LBB2_4:
0xcb: {  	s19 =	simm.s32 $0x1  }
0xcc: {  	s18 =	sadd.s32 $0x4, s18;
	v17 =	vshll.u32 v6, $0x9;
	v18 =	vshll.u32 v5, $0x9;
	v19 =	vshll.u32 v12, $0x9;
	[tilespmem:v15+s1+$0x0] =	vst.idx.add.f32.msk vm3, v3;
	s19 =	simm.s32 @!p1 $0x0  }
0xcd: {  	v15 =	vshll.u32 v4, $0x3;
	v20 =	vshll.u32 v7, $0x3;
	s16 =	sadd.s32 $0x80, s16;
	p2 =	slt.u32 s18, $0x3E4;
	v21 =	vshll.u32 v10, $0x3;
	s19 =	sshll.u32 s19, $0x6;
	[tilespmem:v13+s1+$0x0] =	vst.idx.add.f32.msk vm0, v3  }
0xce: {  	v13 =	vand.u32 $0xFFFFF000, v17;
	v17 =	vand.u32 $0xFFFFF000, v18;
	v18 =	vand.u32 $0xFFFFF000, v19;
	s19 =	sadd.s32 s19, s16;
	[tilespmem:v9+s1+$0x0] =	vst.idx.add.f32.msk vm1, v3  }
0xcf: {  	v8 =	vshll.u32 v8, $0x7;
	v11 =	vshll.u32 v11, $0x7;
	s17 =	sadd.s32 $0x40, s17;
	v9 =	vshll.u32 v14, $0x7;
	s20 =	sadd.s32 $0x10, s19;
	s21 =	sadd.s32 $0x30, s19  }
0xd0: {  	s22 =	sand.u32 $0x40, s17;
	s23 =	sand.u32 $0x7F00, s16;
	v19 =	vand.u32 $0xFFFFFC00, v21;
	v14 =	vand.u32 $0xFFFFFC00, v15;
	v15 =	vand.u32 $0xFFFFFC00, v20;
	s21 =	sor.u32 $0x80, s21;
	[tilespmem:v16+s1+$0x0] =	vst.idx.add.f32.msk vm2, v3  }
0xd1: {  	s22 =	sor.u32 s22, s23;
	s23 =	sadd.s32 $0x20, s19;
	v13 =	vadd.s32 v14, v13;
	v14 =	vadd.s32 v15, v17;
	v15 =	vadd.s32 v19, v18;
	s20 =	sor.u32 $0x80, s20;
	v16 =	vld [tilespmem:s21+$0x10000]  }
0xd2: {  	v11 =	vand.u32 $0x380, v11;
	s19 =	sor.u32 $0x80, s19;
	v9 =	vand.u32 $0x380, v9;
	v18 =	vand.u32 $0x380, v8;
	s21 =	sor.u32 $0x80, s23;
	v17 =	vld [tilespmem:s22+$0x10030]  }
0xd3: {  	v9 =	vor.u32 v9, v13;
	v13 =	vor.u32 v18, v14;
	v18 =	vor.u32 v11, v15;
	v8 =	vld [tilespmem:s20+$0x10000]  }
0xd4: {  	v4 =	vand.u32 $0x7F, v4;
	v7 =	vand.u32 $0x7F, v7;
	v10 =	vand.u32 $0x7F, v10;
	v11 =	vld [tilespmem:s21+$0x10000]  }
0xd5: {  	v9 =	vor.u32 v4, v9;
	v15 =	vor.u32 v7, v13;
	v13 =	vor.u32 v10, v18;
	v14 =	vld [tilespmem:s19+$0x10000]  }
0xd6: {  	vm3 =	vlt.u32 v5, $0x80;
	vm0 =	vlt.u32 v12, $0x80;
	v4 =	vld [tilespmem:s22+$0x10000];
	v18 =	vsub.s32 v16, v0  }
.Ltmp3:
0xd7: {  	vm1 =	vlt.u32 v6, $0x80;
	v7 =	vld [tilespmem:s22+$0x10010];
	v5 =	vshll.u32 v18, $0x9;
	v12 =	vshll.u32 v17, $0x3;
	(pc) =	sbr.rel @p2 .LBB2_4-.Ltmp3, $4  }
0xd8: {  	v16 =	vshll.u32 v16, $0x7;
	v10 =	vld [tilespmem:s22+$0x10020];
	v6 =	vand.u32 $0xFFFFF000, v5;
	v12 =	vand.u32 $0xFFFFFC00, v12  }
0xd9: {  	v5 =	vsub.s32 v8, v0;
	v6 =	vadd.s32 v12, v6;
	v12 =	vand.u32 $0x380, v16  }
0xda: {  	vm2 =	vlt.u32 v18, $0x80;
	v16 =	vand.u32 $0x7F, v17;
	v17 =	vor.u32 v12, v6  }
0xdb: {  	p1 =	por !p1, !p1;
	v6 =	vsub.s32 v14, v0;
	v12 =	vsub.s32 v11, v0;
	v16 =	vor.u32 v16, v17  }
0xdc: {  	v17 =	vshll.u32 v6, $0x9;
	v18 =	vshll.u32 v5, $0x9  }
0xdd: {  	v19 =	vshll.u32 v4, $0x3;
	v20 =	vshll.u32 v7, $0x3;
	v61 =	vshll.u32 v12, $0x9  }
0xde: {  	v14 =	vshll.u32 v14, $0x7;
	v8 =	vshll.u32 v8, $0x7;
	v11 =	vshll.u32 v11, $0x7  }
0xdf: {  	v63 =	vand.u32 $0x7F, v7;
	vm4 =	vlt.u32 v5, $0x80;
	vm5 =	vlt.u32 v12, $0x80  }
0xe0: {  	v4 =	vand.u32 $0x7F, v4;
	vm15 =	vlt.u32 v6, $0x80;
	v17 =	vand.u32 $0xFFFFF000, v17  }
0xe1: {  	v18 =	vand.u32 $0xFFFFF000, v18;
	v19 =	vand.u32 $0xFFFFFC00, v19;
	v20 =	vand.u32 $0xFFFFFC00, v20  }
0xe2: {  	v62 =	vshll.u32 v10, $0x3;
	v14 =	vand.u32 $0x380, v14;
	v8 =	vand.u32 $0x380, v8  }
0xe3: {  	v11 =	vand.u32 $0x380, v11;
	v17 =	vadd.s32 v19, v17;
	v18 =	vadd.s32 v20, v18  }
0xe4: {  	v19 =	vand.u32 $0xFFFFF000, v61;
	v20 =	vand.u32 $0xFFFFFC00, v62;
	v8 =	vor.u32 v8, v18  }
0xe5: {  	v19 =	vadd.s32 v20, v19;
	v14 =	vor.u32 v14, v17;
	v7 =	vor.u32 v63, v8  }
0xe6: {  	[tilespmem:v15+s1+$0x0] =	vst.idx.add.f32.msk vm3, v3;
	v5 =	vand.u32 $0x7F, v10;
	v11 =	vor.u32 v11, v19;
	v4 =	vor.u32 v4, v14  }
0xe7: {  	[tilespmem:v13+s1+$0x0] =	vst.idx.add.f32.msk vm0, v3;
	v5 =	vor.u32 v5, v11  }
0xe8: {  	[tilespmem:v9+s1+$0x0] =	vst.idx.add.f32.msk vm1, v3  }
0xe9: {  	[tilespmem:v16+s1+$0x0] =	vst.idx.add.f32.msk vm2, v3  }
0xea: {  	[tilespmem:v7+s1+$0x0] =	vst.idx.add.f32.msk vm4, v3  }
0xeb: {  	[tilespmem:v4+s1+$0x0] =	vst.idx.add.f32.msk vm15, v3  }
0xec: {  	[tilespmem:v5+s1+$0x0] =	vst.idx.add.f32.msk vm5, v3  }
0xed: {  	[hbm4b:s5+s1] =	stream.linear.scatter [tilespmem:s1], [sflag:$0x3], $0x10000, $0x38;
	[tilespmem:$0x1FA00] =	vst v63  }
0xee: {  	_ =	swait.ge [sflag:s13], $0x10000  }
0xef: {  	[sflag:s13] =	ssyncset.done $0x0  }
0xf0: {  	[sflag:s13] =	ssyncadd.s32 $0xFFFF0000  }
0xf1: {  	_ =	swait.ge [sflag:s14], $0x7D00  }
0xf2: {  	[sflag:s14] =	ssyncset.done $0x0  }
0xf3: {  	s16 =	simm.s32 @!p0 $0x0;
	s17 =	simm.s32 @!p0 $0x10000;
	[sflag:s14] =	ssyncadd.s32 $0xFFFF8300  }
0xf4: {  	[tilespmem:s17], [sflag:$0x1] =	stream.linear.gather @!p0 [hbm4b:s6+s16], $0x7D00, $0x38;
	[tilespmem:$0x1FA00] =	vst v63  }
0xf5: {  	s16 =	simm.s32 $0x0  }
0xf6: {  	s31 =	sand.u32 $0xF000, s16;
	s18 =	sand.u32 $0x300, s16  }
0xf7: {  	s17 =	sor.u32 s18, s31  }
0xf8: {  	[tilespmem:s17+$0x80] =	vst v2  }
0xf9: {  	[tilespmem:s17+$0x90] =	vst v2  }
0xfa: {  	[tilespmem:s17+$0xA0] =	vst v2  }
0xfb: {  	[tilespmem:s17+$0xB0] =	vst v2  }
0xfc: {  	[tilespmem:s17+$0xC0] =	vst v2  }
0xfd: {  	[tilespmem:s17+$0xD0] =	vst v2  }
0xfe: {  	[tilespmem:s17+$0xE0] =	vst v2  }
0xff: {  	[tilespmem:s17+$0xF0] =	vst v2  }
0x100: {  	[tilespmem:s17+$0x480] =	vst v2  }
0x101: {  	[tilespmem:s17+$0x490] =	vst v2  }
0x102: {  	[tilespmem:s17+$0x4A0] =	vst v2  }
0x103: {  	[tilespmem:s17+$0x4B0] =	vst v2  }
0x104: {  	[tilespmem:s17+$0x4C0] =	vst v2  }
0x105: {  	[tilespmem:s17+$0x4D0] =	vst v2  }
0x106: {  	[tilespmem:s17+$0x4E0] =	vst v2  }
0x107: {  	[tilespmem:s17+$0x4F0] =	vst v2  }
0x108: {  	[tilespmem:s17+$0x880] =	vst v2  }
0x109: {  	[tilespmem:s17+$0x890] =	vst v2  }
0x10a: {  	[tilespmem:s17+$0x8A0] =	vst v2  }
0x10b: {  	[tilespmem:s17+$0x8B0] =	vst v2  }
0x10c: {  	[tilespmem:s17+$0x8C0] =	vst v2  }
0x10d: {  	[tilespmem:s17+$0x8D0] =	vst v2  }
0x10e: {  	[tilespmem:s17+$0x8E0] =	vst v2  }
0x10f: {  	[tilespmem:s17+$0x8F0] =	vst v2  }
0x110: {  	[tilespmem:s17+$0x0] =	vst v2  }
0x111: {  	[tilespmem:s17+$0x10] =	vst v2  }
0x112: {  	[tilespmem:s17+$0x20] =	vst v2  }
0x113: {  	[tilespmem:s17+$0x30] =	vst v2  }
0x114: {  	[tilespmem:s17+$0x40] =	vst v2  }
0x115: {  	[tilespmem:s17+$0x50] =	vst v2  }
0x116: {  	[tilespmem:s17+$0x60] =	vst v2  }
0x117: {  	[tilespmem:s17+$0x70] =	vst v2  }
0x118: {  	[tilespmem:s17+$0x400] =	vst v2  }
0x119: {  	[tilespmem:s17+$0x410] =	vst v2  }
0x11a: {  	[tilespmem:s17+$0x420] =	vst v2  }
0x11b: {  	[tilespmem:s17+$0x430] =	vst v2  }
0x11c: {  	[tilespmem:s17+$0x440] =	vst v2  }
0x11d: {  	[tilespmem:s17+$0x450] =	vst v2  }
0x11e: {  	[tilespmem:s17+$0x460] =	vst v2  }
0x11f: {  	[tilespmem:s17+$0x470] =	vst v2  }
0x120: {  	s0 =	sand.u32 $0x3, s16;
	[tilespmem:s17+$0x800] =	vst v2  }
0x121: {  	s18 =	sshll.u32 s0, $0x8;
	[tilespmem:s17+$0x810] =	vst v2  }
0x122: {  	s18 =	sadd.s32 $0x0, s18;
	[tilespmem:s17+$0x820] =	vst v2  }
0x123: {  	[tilespmem:s17+$0x830] =	vst v2;
	s19 =	sadd.s32 $0x80, s18;
	s26 =	sor.u32 $0xC00, s18  }
0x124: {  	s20 =	sor.u32 $0xC00, s19;
	[tilespmem:s26+$0x0] =	vst v2  }
0x125: {  	[tilespmem:s20+$0x0] =	vst v2  }
0x126: {  	[tilespmem:s17+$0x840] =	vst v2  }
0x127: {  	[tilespmem:s17+$0x850] =	vst v2  }
0x128: {  	[tilespmem:s17+$0x860] =	vst v2  }
0x129: {  	s2 =	sor.u32 $0xC10, s19;
	[tilespmem:s17+$0x870] =	vst v2  }
0x12a: {  	s28 =	sor.u32 $0xC10, s18;
	[tilespmem:s2+$0x0] =	vst v2  }
0x12b: {  	s21 =	sor.u32 $0xC20, s19;
	[tilespmem:s28+$0x0] =	vst v2  }
0x12c: {  	s29 =	sor.u32 $0xC20, s18;
	[tilespmem:s21+$0x0] =	vst v2  }
0x12d: {  	s22 =	sor.u32 $0xC30, s19;
	[tilespmem:s29+$0x0] =	vst v2  }
0x12e: {  	s30 =	sor.u32 $0xC30, s18;
	[tilespmem:s22+$0x0] =	vst v2  }
0x12f: {  	s23 =	sor.u32 $0xC40, s19;
	[tilespmem:s30+$0x0] =	vst v2  }
0x130: {  	s31 =	sor.u32 $0xC40, s18;
	[tilespmem:s23+$0x0] =	vst v2  }
0x131: {  	s24 =	sor.u32 $0xC50, s19;
	[tilespmem:s31+$0x0] =	vst v2  }
0x132: {  	s21 =	sor.u32 $0xC50, s18;
	[tilespmem:s24+$0x0] =	vst v2  }
0x133: {  	s25 =	sor.u32 $0xC60, s19;
	s19 =	sor.u32 $0xC70, s19;
	[tilespmem:s21+$0x0] =	vst v2  }
0x134: {  	s17 =	simm.s32 $0x0;
	s20 =	simm.s32 $0x0;
	s22 =	sor.u32 $0xC70, s18;
	[tilespmem:s25+$0x0] =	vst v2  }
0x135: {  	s23 =	sor.u32 $0xC60, s18;
	s18 =	simm.s32 $0x100;
	[tilespmem:s19+$0x0] =	vst v2;
	s19 =	simm.s32 $0x400  }
.LBB2_6:
0x136: {  	s21 =	sand.u32 $0xF000, s19;
	s24 =	sand.u32 $0x300, s18;
	[tilespmem:s23+$0x0] =	vst v2  }
0x137: {  	s21 =	sor.u32 s24, s21;
	[tilespmem:s22+$0x0] =	vst v2  }
0x138: {  	[tilespmem:s21+$0x80] =	vst v2  }
0x139: {  	[tilespmem:s21+$0x90] =	vst v2  }
0x13a: {  	[tilespmem:s21+$0xA0] =	vst v2  }
0x13b: {  	[tilespmem:s21+$0xB0] =	vst v2  }
0x13c: {  	[tilespmem:s21+$0xC0] =	vst v2  }
0x13d: {  	[tilespmem:s21+$0xD0] =	vst v2  }
0x13e: {  	[tilespmem:s21+$0xE0] =	vst v2  }
0x13f: {  	[tilespmem:s21+$0xF0] =	vst v2  }
0x140: {  	[tilespmem:s21+$0x480] =	vst v2  }
0x141: {  	[tilespmem:s21+$0x490] =	vst v2  }
0x142: {  	[tilespmem:s21+$0x4A0] =	vst v2  }
0x143: {  	[tilespmem:s21+$0x4B0] =	vst v2  }
0x144: {  	[tilespmem:s21+$0x4C0] =	vst v2  }
0x145: {  	[tilespmem:s21+$0x4D0] =	vst v2  }
0x146: {  	[tilespmem:s21+$0x4E0] =	vst v2  }
0x147: {  	[tilespmem:s21+$0x4F0] =	vst v2  }
0x148: {  	[tilespmem:s21+$0x880] =	vst v2  }
0x149: {  	[tilespmem:s21+$0x890] =	vst v2  }
0x14a: {  	s20 =	sadd.s32 $0x1, s20;
	[tilespmem:s21+$0x8A0] =	vst v2  }
0x14b: {  	s22 =	sand.u32 $0x3, s20;
	[tilespmem:s21+$0x8B0] =	vst v2  }
0x14c: {  	s22 =	sshll.u32 s22, $0x8;
	[tilespmem:s21+$0x8C0] =	vst v2  }
0x14d: {  	s22 =	sadd.s32 s22, s19;
	[tilespmem:s21+$0x8D0] =	vst v2  }
0x14e: {  	s30 =	sor.u32 $0xC00, s22;
	s24 =	sor.u32 $0xC10, s22;
	s31 =	sadd.s32 $0x80, s22;
	[tilespmem:s21+$0x8E0] =	vst v2  }
0x14f: {  	s26 =	sor.u32 $0xC20, s22;
	s25 =	sor.u32 $0xC30, s22;
	s23 =	sor.u32 $0xC00, s31;
	[tilespmem:s21+$0x8F0] =	vst v2  }
0x150: {  	s29 =	sor.u32 $0xC40, s22;
	s28 =	sor.u32 $0xC50, s22;
	s0 =	sor.u32 $0xC10, s31;
	[tilespmem:s23+$0x0] =	vst v2  }
0x151: {  	s23 =	sor.u32 $0xC60, s22;
	s22 =	sor.u32 $0xC70, s22;
	[tilespmem:s0+$0x0] =	vst v2;
	s0 =	sor.u32 $0xC20, s31  }
0x152: {  	s17 =	sadd.s32 $0x2, s17;
	[tilespmem:s0+$0x0] =	vst v2;
	s0 =	sor.u32 $0xC30, s31  }
0x153: {  	p1 =	slt.u32 s17, $0x7E;
	[tilespmem:s0+$0x0] =	vst v2;
	s0 =	sor.u32 $0xC40, s31  }
0x154: {  	[tilespmem:s0+$0x0] =	vst v2;
	s0 =	sor.u32 $0xC50, s31  }
0x155: {  	[tilespmem:s0+$0x0] =	vst v2;
	s0 =	sor.u32 $0xC60, s31  }
0x156: {  	[tilespmem:s0+$0x0] =	vst v2;
	s0 =	sor.u32 $0xC70, s31  }
0x157: {  	[tilespmem:s0+$0x0] =	vst v2  }
0x158: {  	[tilespmem:s21+$0x0] =	vst v2  }
0x159: {  	[tilespmem:s21+$0x10] =	vst v2  }
0x15a: {  	[tilespmem:s21+$0x20] =	vst v2  }
0x15b: {  	[tilespmem:s21+$0x30] =	vst v2  }
0x15c: {  	[tilespmem:s21+$0x40] =	vst v2  }
0x15d: {  	[tilespmem:s21+$0x50] =	vst v2  }
0x15e: {  	[tilespmem:s21+$0x60] =	vst v2  }
0x15f: {  	[tilespmem:s21+$0x70] =	vst v2  }
0x160: {  	[tilespmem:s21+$0x400] =	vst v2  }
0x161: {  	[tilespmem:s21+$0x410] =	vst v2  }
0x162: {  	[tilespmem:s21+$0x420] =	vst v2  }
0x163: {  	[tilespmem:s21+$0x430] =	vst v2  }
0x164: {  	[tilespmem:s21+$0x440] =	vst v2  }
0x165: {  	[tilespmem:s21+$0x450] =	vst v2  }
0x166: {  	[tilespmem:s21+$0x460] =	vst v2  }
0x167: {  	[tilespmem:s21+$0x470] =	vst v2  }
0x168: {  	[tilespmem:s21+$0x800] =	vst v2  }
0x169: {  	[tilespmem:s21+$0x810] =	vst v2  }
0x16a: {  	[tilespmem:s21+$0x820] =	vst v2  }
0x16b: {  	[tilespmem:s21+$0x830] =	vst v2  }
0x16c: {  	[tilespmem:s30+$0x0] =	vst v2  }
0x16d: {  	[tilespmem:s21+$0x840] =	vst v2  }
0x16e: {  	[tilespmem:s21+$0x850] =	vst v2  }
0x16f: {  	[tilespmem:s21+$0x860] =	vst v2  }
0x170: {  	[tilespmem:s21+$0x870] =	vst v2  }
.Ltmp4:
0x171: {  	[tilespmem:s24+$0x0] =	vst v2;
	(pc) =	sbr.rel @p1 .LBB2_6-.Ltmp4, $4  }
0x172: {  	[tilespmem:s26+$0x0] =	vst v2  }
0x173: {  	[tilespmem:s25+$0x0] =	vst v2  }
0x174: {  	[tilespmem:s29+$0x0] =	vst v2  }
0x175: {  	s18 =	sadd.s32 $0x100, s18;
	s19 =	sadd.s32 $0x400, s19;
	[tilespmem:s28+$0x0] =	vst v2  }
0x176: {  	s0 =	sand.u32 $0x40, s16;
	s30 =	sand.u32 $0x7F00, s16  }
0x177: {  	[tilespmem:s23+$0x0] =	vst v2;
	s17 =	sadd.s32 $0x17D80, s30;
	s18 =	sor.u32 $0x30, s0  }
0x178: {  	[tilespmem:s22+$0x0] =	vst v2;
	s16 =	sadd.s32 $0x17D00, s30;
	s19 =	sor.u32 s18, s17  }
0x179: {  	s18 =	sor.u32 s18, s16;
	v4 =	vld [tilespmem:s19+$0x0]  }
0x17a: {  	s31 =	sor.u32 $0x10, s0;
	s2 =	sor.u32 $0x20, s0;
	s20 =	sor.u32 s0, s17;
	v5 =	vld [tilespmem:s18+$0x0]  }
0x17b: {  	s21 =	sor.u32 s31, s17;
	s17 =	sor.u32 s2, s17;
	v6 =	vld [tilespmem:s20+$0x0]  }
0x17c: {  	v8 =	vld [tilespmem:s17+$0x0]  }
0x17d: {  	s19 =	sor.u32 s31, s16  }
0x17e: {  	s20 =	sor.u32 s2, s16;
	v11 =	vld [tilespmem:s19+$0x0]  }
0x17f: {  	v14 =	vld [tilespmem:s20+$0x0]  }
0x180: {  	v9 =	vsub.s32 v4, v1;
	v13 =	vshll.u32 v5, $0x3;
	v4 =	vshll.u32 v4, $0x7  }
0x181: {  	s0 =	sor.u32 s0, s16;
	v15 =	vsub.s32 v6, v1;
	v5 =	vand.u32 $0x7F, v5;
	v16 =	vsub.s32 v8, v1  }
0x182: {  	v10 =	vld [tilespmem:s0+$0x0];
	v6 =	vshll.u32 v6, $0x7;
	v8 =	vshll.u32 v8, $0x7;
	v12 =	vshll.u32 v9, $0x9  }
0x183: {  	v7 =	vld [tilespmem:s21+$0x0];
	v13 =	vand.u32 $0xFFFFFC00, v13;
	v4 =	vand.u32 $0x380, v4;
	vm1 =	vlt.u32 v9, $0x80  }
0x184: {  	s22 =	simm.s32 $0x40;
	s21 =	simm.s32 $0x80;
	v9 =	vshll.u32 v16, $0x9;
	v18 =	vshll.u32 v11, $0x3;
	v19 =	vshll.u32 v14, $0x3  }
0x185: {  	s16 =	sand.u32 $0x40, s22;
	s0 =	sand.u32 $0x7F00, s21;
	v8 =	vand.u32 $0x380, v8;
	vm2 =	vlt.u32 v15, $0x80;
	vm0 =	vlt.u32 v16, $0x80  }
0x186: {  	s24 =	sor.u32 $0x30, s16;
	s23 =	sadd.s32 $0x17D80, s0;
	v12 =	vand.u32 $0xFFFFF000, v12;
	v9 =	vand.u32 $0xFFFFF000, v9;
	v18 =	vand.u32 $0xFFFFFC00, v18  }
0x187: {  	s25 =	sor.u32 s24, s23;
	v19 =	vand.u32 $0xFFFFFC00, v19;
	v12 =	vadd.s32 v13, v12;
	v13 =	vshll.u32 v10, $0x3  }
0x188: {  	v20 =	vld [tilespmem:s25+$0x0];
	v9 =	vadd.s32 v19, v9;
	v4 =	vor.u32 v4, v12;
	v12 =	vsub.s32 v7, v1  }
0x189: {  	s0 =	sadd.s32 $0x17D00, s0;
	v13 =	vand.u32 $0xFFFFFC00, v13;
	v17 =	vor.u32 v5, v4;
	v5 =	vshll.u32 v12, $0x9  }
0x18a: {  	s18 =	sor.u32 s24, s0;
	v7 =	vshll.u32 v7, $0x7;
	v4 =	vshll.u32 v15, $0x9;
	v5 =	vand.u32 $0xFFFFF000, v5  }
0x18b: {  	s26 =	sor.u32 $0x10, s16;
	s28 =	sor.u32 s16, s23;
	v7 =	vand.u32 $0x380, v7;
	v4 =	vand.u32 $0xFFFFF000, v4;
	v5 =	vadd.s32 v18, v5;
	v18 =	vld [tilespmem:s18+$0x0]  }
0x18c: {  	s29 =	sor.u32 $0x20, s16;
	s30 =	sor.u32 s26, s23;
	vm3 =	vlt.u32 v12, $0x80;
	v4 =	vadd.s32 v13, v4;
	v13 =	vand.u32 $0x380, v6;
	v6 =	vld [tilespmem:s28+$0x0]  }
0x18d: {  	s17 =	sor.u32 s29, s23;
	v15 =	vshll.u32 v20, $0x7;
	v5 =	vor.u32 v7, v5;
	v7 =	vor.u32 v8, v9;
	v9 =	vld [tilespmem:s30+$0x0]  }
0x18e: {  	s16 =	sor.u32 s16, s0;
	v4 =	vor.u32 v13, v4;
	v8 =	vand.u32 $0x7F, v10;
	v10 =	vand.u32 $0x7F, v11;
	v11 =	vld [tilespmem:s17+$0x0]  }
0x18f: {  	s31 =	sor.u32 s26, s0;
	v21 =	vor.u32 v8, v4;
	v22 =	vor.u32 v10, v5;
	v4 =	vld [tilespmem:s16+$0x0];
	v10 =	vsub.s32 v20, v1  }
0x190: {  	s0 =	sor.u32 s29, s0;
	v13 =	vand.u32 $0x7F, v14;
	v5 =	vld [tilespmem:s31+$0x0];
	v8 =	vshll.u32 v10, $0x9;
	v12 =	vshll.u32 v18, $0x3  }
0x191: {  	v13 =	vor.u32 v13, v7;
	v7 =	vld [tilespmem:s0+$0x0];
	v14 =	vand.u32 $0xFFFFF000, v8;
	v12 =	vand.u32 $0xFFFFFC00, v12  }
0x192: {  	[tilespmem:v17+s1+$0x0] =	vst.idx.add.f32.msk vm1, v3;
	vm1 =	vlt.u32 v10, $0x80;
	v12 =	vadd.s32 v12, v14;
	v14 =	vand.u32 $0x380, v15  }
0x193: {  	v8 =	vsub.s32 v6, v1;
	v15 =	vand.u32 $0x7F, v18;
	v14 =	vor.u32 v14, v12  }
0x194: {  	v10 =	vsub.s32 v11, v1;
	v18 =	vshll.u32 v8, $0x9;
	v14 =	vor.u32 v15, v14  }
0x195: {  	v20 =	vshll.u32 v10, $0x9;
	[tilespmem:v21+s1+$0x0] =	vst.idx.add.f32.msk vm2, v3;
	v16 =	vshll.u32 v5, $0x3;
	v12 =	vsub.s32 v9, v1  }
0x196: {  	s18 =	simm.s32 $0x80;
	s17 =	simm.s32 $0x100;
	s16 =	simm.s32 $0x4;
	v17 =	vshll.u32 v7, $0x3;
	[tilespmem:v22+s1+$0x0] =	vst.idx.add.f32.msk vm3, v3;
	v19 =	vshll.u32 v12, $0x9;
	v15 =	vshll.u32 v4, $0x3  }
.LBB2_8:
0x197: {  	s0 =	sand.u32 $0x40, s18;
	s19 =	sand.u32 $0x7F00, s17;
	s16 =	sadd.s32 $0x4, s16;
	v18 =	vand.u32 $0xFFFFF000, v18;
	v19 =	vand.u32 $0xFFFFF000, v19;
	v20 =	vand.u32 $0xFFFFF000, v20;
	[tilespmem:v13+s1+$0x0] =	vst.idx.add.f32.msk vm0, v3  }
0x198: {  	v13 =	vand.u32 $0xFFFFFC00, v15;
	v15 =	vand.u32 $0xFFFFFC00, v16;
	v16 =	vand.u32 $0xFFFFFC00, v17;
	s20 =	sadd.s32 $0x17D80, s19;
	s21 =	sor.u32 $0x30, s0;
	p1 =	slt.u32 s16, $0x3E4  }
0x199: {  	v6 =	vshll.u32 v6, $0x7;
	v9 =	vshll.u32 v9, $0x7;
	v11 =	vshll.u32 v11, $0x7;
	s19 =	sadd.s32 $0x17D00, s19;
	s22 =	sor.u32 $0x10, s0;
	s23 =	sor.u32 s21, s20;
	[tilespmem:v14+s1+$0x0] =	vst.idx.add.f32.msk vm1, v3  }
0x19a: {  	s25 =	sor.u32 $0x20, s0;
	v13 =	vadd.s32 v13, v18;
	v15 =	vadd.s32 v15, v19;
	v16 =	vadd.s32 v16, v20;
	s24 =	sor.u32 s0, s20;
	s21 =	sor.u32 s21, s19;
	v14 =	vld [tilespmem:s23+$0x0]  }
0x19b: {  	v18 =	vand.u32 $0x380, v6;
	v9 =	vand.u32 $0x380, v9;
	v11 =	vand.u32 $0x380, v11;
	s0 =	sor.u32 s0, s19;
	s23 =	sor.u32 s22, s20;
	s20 =	sor.u32 s25, s20;
	v17 =	vld [tilespmem:s21+$0x0]  }
0x19c: {  	v13 =	vor.u32 v18, v13;
	v15 =	vor.u32 v9, v15;
	v16 =	vor.u32 v11, v16;
	s21 =	sor.u32 s22, s19;
	s19 =	sor.u32 s25, s19;
	v6 =	vld [tilespmem:s24+$0x0]  }
0x19d: {  	v4 =	vand.u32 $0x7F, v4;
	v5 =	vand.u32 $0x7F, v5;
	v7 =	vand.u32 $0x7F, v7;
	v9 =	vld [tilespmem:s23+$0x0]  }
0x19e: {  	v21 =	vor.u32 v4, v13;
	v22 =	vor.u32 v5, v15;
	v13 =	vor.u32 v7, v16;
	v11 =	vld [tilespmem:s20+$0x0]  }
0x19f: {  	vm3 =	vlt.u32 v8, $0x80;
	vm2 =	vlt.u32 v12, $0x80;
	v4 =	vld [tilespmem:s0+$0x0];
	v15 =	vsub.s32 v14, v1  }
0x1a0: {  	vm0 =	vlt.u32 v10, $0x80;
	v5 =	vld [tilespmem:s21+$0x0];
	v8 =	vshll.u32 v15, $0x9;
	v12 =	vshll.u32 v17, $0x3  }
0x1a1: {  	v14 =	vshll.u32 v14, $0x7;
	v7 =	vld [tilespmem:s19+$0x0];
	v10 =	vand.u32 $0xFFFFF000, v8;
	v12 =	vand.u32 $0xFFFFFC00, v12  }
.Ltmp5:
0x1a2: {  	v8 =	vsub.s32 v6, v1;
	v10 =	vadd.s32 v12, v10;
	v12 =	vand.u32 $0x380, v14;
	(pc) =	sbr.rel @p1 .LBB2_8-.Ltmp5, $4  }
0x1a3: {  	vm1 =	vlt.u32 v15, $0x80;
	v14 =	vand.u32 $0x7F, v17;
	v15 =	vor.u32 v12, v10  }
0x1a4: {  	v12 =	vsub.s32 v9, v1;
	v10 =	vsub.s32 v11, v1;
	v14 =	vor.u32 v14, v15  }
0x1a5: {  	v18 =	vshll.u32 v8, $0x9;
	v19 =	vshll.u32 v12, $0x9;
	v20 =	vshll.u32 v10, $0x9;
	[tilespmem:v21+s1+$0x0] =	vst.idx.add.f32.msk vm3, v3  }
0x1a6: {  	s17 =	sadd.s32 $0x80, s17;
	s18 =	sadd.s32 $0x40, s18;
	v15 =	vshll.u32 v4, $0x3;
	v16 =	vshll.u32 v5, $0x3;
	v17 =	vshll.u32 v7, $0x3;
	[tilespmem:v22+s1+$0x0] =	vst.idx.add.f32.msk vm2, v3  }
0x1a7: {  	v18 =	vand.u32 $0xFFFFF000, v18;
	v19 =	vand.u32 $0xFFFFF000, v19  }
0x1a8: {  	v20 =	vand.u32 $0xFFFFF000, v20;
	v15 =	vand.u32 $0xFFFFFC00, v15;
	v16 =	vand.u32 $0xFFFFFC00, v16  }
0x1a9: {  	v17 =	vand.u32 $0xFFFFFC00, v17;
	v6 =	vshll.u32 v6, $0x7;
	v9 =	vshll.u32 v9, $0x7  }
0x1aa: {  	v11 =	vshll.u32 v11, $0x7;
	v4 =	vand.u32 $0x7F, v4;
	vm2 =	vlt.u32 v8, $0x80  }
0x1ab: {  	v5 =	vand.u32 $0x7F, v5;
	vm3 =	vlt.u32 v12, $0x80;
	v63 =	vand.u32 $0x7F, v7  }
0x1ac: {  	v15 =	vadd.s32 v15, v18;
	v16 =	vadd.s32 v16, v19;
	v6 =	vand.u32 $0x380, v6  }
0x1ad: {  	v17 =	vadd.s32 v17, v20;
	v9 =	vand.u32 $0x380, v9;
	v6 =	vor.u32 v6, v15  }
0x1ae: {  	v11 =	vand.u32 $0x380, v11;
	v9 =	vor.u32 v9, v16;
	v4 =	vor.u32 v4, v6  }
0x1af: {  	vm4 =	vlt.u32 v10, $0x80;
	v11 =	vor.u32 v11, v17;
	v5 =	vor.u32 v5, v9  }
0x1b0: {  	v6 =	vor.u32 v63, v11  }
0x1b1: {  	[tilespmem:v13+s1+$0x0] =	vst.idx.add.f32.msk vm0, v3  }
0x1b2: {  	[tilespmem:v14+s1+$0x0] =	vst.idx.add.f32.msk vm1, v3  }
0x1b3: {  	[tilespmem:v4+s1+$0x0] =	vst.idx.add.f32.msk vm2, v3  }
0x1b4: {  	[tilespmem:v5+s1+$0x0] =	vst.idx.add.f32.msk vm3, v3  }
.Ltmp6:
0x1b5: {  	[tilespmem:v6+s1+$0x0] =	vst.idx.add.f32.msk vm4, v3;
	(pc) =	sbr.rel @p0 .LBB2_15-.Ltmp6, $4  }
0x1b6: {  	[hbm4b:s7+s1] =	stream.linear.scatter [tilespmem:s1], [sflag:$0x3], $0x10000, $0x38;
	[tilespmem:$0x1FA00] =	vst v63  }
0x1b7: {  	_ =	swait.ge [sflag:s13], $0x10000  }
0x1b8: {  	[sflag:s13] =	ssyncset.done $0x0  }
0x1b9: {  	[sflag:s13] =	ssyncadd.s32 $0xFFFF0000  }
0x1ba: {  	_ =	swait.ge [sflag:s11], $0x7D00;
	s16 =	simm.s32 $0x0  }
0x1bb: {  	[sflag:s11] =	ssyncset.done $0x0;
	s0 =	sand.u32 $0xF000, s16;
	s17 =	sand.u32 $0x300, s16  }
0x1bc: {  	[sflag:s11] =	ssyncadd.s32 $0xFFFF8300;
	s17 =	sor.u32 s17, s0  }
0x1bd: {  	[tilespmem:s17+$0x80] =	vst v2  }
0x1be: {  	[tilespmem:s17+$0x90] =	vst v2  }
0x1bf: {  	[tilespmem:s17+$0xA0] =	vst v2  }
0x1c0: {  	[tilespmem:s17+$0xB0] =	vst v2  }
0x1c1: {  	[tilespmem:s17+$0xC0] =	vst v2  }
0x1c2: {  	[tilespmem:s17+$0xD0] =	vst v2  }
0x1c3: {  	[tilespmem:s17+$0xE0] =	vst v2  }
0x1c4: {  	[tilespmem:s17+$0xF0] =	vst v2  }
0x1c5: {  	[tilespmem:s17+$0x480] =	vst v2  }
0x1c6: {  	[tilespmem:s17+$0x490] =	vst v2  }
0x1c7: {  	[tilespmem:s17+$0x4A0] =	vst v2  }
0x1c8: {  	[tilespmem:s17+$0x4B0] =	vst v2  }
0x1c9: {  	[tilespmem:s17+$0x4C0] =	vst v2  }
0x1ca: {  	[tilespmem:s17+$0x4D0] =	vst v2  }
0x1cb: {  	[tilespmem:s17+$0x4E0] =	vst v2  }
0x1cc: {  	[tilespmem:s17+$0x4F0] =	vst v2  }
0x1cd: {  	[tilespmem:s17+$0x880] =	vst v2  }
0x1ce: {  	[tilespmem:s17+$0x890] =	vst v2  }
0x1cf: {  	[tilespmem:s17+$0x8A0] =	vst v2  }
0x1d0: {  	[tilespmem:s17+$0x8B0] =	vst v2  }
0x1d1: {  	[tilespmem:s17+$0x8C0] =	vst v2  }
0x1d2: {  	[tilespmem:s17+$0x8D0] =	vst v2  }
0x1d3: {  	[tilespmem:s17+$0x8E0] =	vst v2  }
0x1d4: {  	[tilespmem:s17+$0x8F0] =	vst v2  }
0x1d5: {  	[tilespmem:s17+$0x0] =	vst v2  }
0x1d6: {  	[tilespmem:s17+$0x10] =	vst v2  }
0x1d7: {  	[tilespmem:s17+$0x20] =	vst v2  }
0x1d8: {  	[tilespmem:s17+$0x30] =	vst v2  }
0x1d9: {  	[tilespmem:s17+$0x40] =	vst v2  }
0x1da: {  	[tilespmem:s17+$0x50] =	vst v2  }
0x1db: {  	[tilespmem:s17+$0x60] =	vst v2  }
0x1dc: {  	[tilespmem:s17+$0x70] =	vst v2  }
0x1dd: {  	[tilespmem:s17+$0x400] =	vst v2  }
0x1de: {  	[tilespmem:s17+$0x410] =	vst v2  }
0x1df: {  	[tilespmem:s17+$0x420] =	vst v2  }
0x1e0: {  	[tilespmem:s17+$0x430] =	vst v2  }
0x1e1: {  	[tilespmem:s17+$0x440] =	vst v2  }
0x1e2: {  	[tilespmem:s17+$0x450] =	vst v2  }
0x1e3: {  	[tilespmem:s17+$0x460] =	vst v2  }
0x1e4: {  	[tilespmem:s17+$0x470] =	vst v2  }
0x1e5: {  	s19 =	sand.u32 $0x3, s16;
	[tilespmem:s17+$0x800] =	vst v2  }
0x1e6: {  	s0 =	sshll.u32 s19, $0x8;
	[tilespmem:s17+$0x810] =	vst v2  }
0x1e7: {  	s0 =	sadd.s32 $0x0, s0;
	[tilespmem:s17+$0x820] =	vst v2  }
0x1e8: {  	[tilespmem:s17+$0x830] =	vst v2;
	s18 =	sadd.s32 $0x80, s0;
	s26 =	sor.u32 $0xC00, s0  }
0x1e9: {  	s19 =	sor.u32 $0xC00, s18;
	[tilespmem:s26+$0x0] =	vst v2  }
0x1ea: {  	[tilespmem:s19+$0x0] =	vst v2  }
0x1eb: {  	[tilespmem:s17+$0x840] =	vst v2  }
0x1ec: {  	[tilespmem:s17+$0x850] =	vst v2  }
0x1ed: {  	[tilespmem:s17+$0x860] =	vst v2  }
0x1ee: {  	s20 =	sor.u32 $0xC10, s18;
	[tilespmem:s17+$0x870] =	vst v2  }
0x1ef: {  	s28 =	sor.u32 $0xC10, s0;
	[tilespmem:s20+$0x0] =	vst v2  }
0x1f0: {  	s21 =	sor.u32 $0xC20, s18;
	[tilespmem:s28+$0x0] =	vst v2  }
0x1f1: {  	s29 =	sor.u32 $0xC20, s0;
	[tilespmem:s21+$0x0] =	vst v2  }
0x1f2: {  	s22 =	sor.u32 $0xC30, s18;
	[tilespmem:s29+$0x0] =	vst v2  }
0x1f3: {  	s30 =	sor.u32 $0xC30, s0;
	[tilespmem:s22+$0x0] =	vst v2  }
0x1f4: {  	s23 =	sor.u32 $0xC40, s18;
	[tilespmem:s30+$0x0] =	vst v2  }
0x1f5: {  	s31 =	sor.u32 $0xC40, s0;
	[tilespmem:s23+$0x0] =	vst v2  }
0x1f6: {  	s24 =	sor.u32 $0xC50, s18;
	[tilespmem:s31+$0x0] =	vst v2  }
0x1f7: {  	s20 =	sor.u32 $0xC50, s0;
	[tilespmem:s24+$0x0] =	vst v2  }
0x1f8: {  	s25 =	sor.u32 $0xC60, s18;
	s18 =	sor.u32 $0xC70, s18;
	[tilespmem:s20+$0x0] =	vst v2  }
0x1f9: {  	s17 =	simm.s32 $0x0;
	s19 =	simm.s32 $0x400;
	s22 =	sor.u32 $0xC70, s0;
	[tilespmem:s25+$0x0] =	vst v2  }
0x1fa: {  	s23 =	sor.u32 $0xC60, s0;
	s20 =	simm.s32 $0x0;
	[tilespmem:s18+$0x0] =	vst v2;
	s18 =	simm.s32 $0x100  }
.LBB2_11:
0x1fb: {  	s0 =	sand.u32 $0xF000, s19;
	s21 =	sand.u32 $0x300, s18;
	[tilespmem:s23+$0x0] =	vst v2  }
0x1fc: {  	s21 =	sor.u32 s21, s0;
	[tilespmem:s22+$0x0] =	vst v2  }
0x1fd: {  	[tilespmem:s21+$0x80] =	vst v2  }
0x1fe: {  	[tilespmem:s21+$0x90] =	vst v2  }
0x1ff: {  	[tilespmem:s21+$0xA0] =	vst v2  }
0x200: {  	[tilespmem:s21+$0xB0] =	vst v2  }
0x201: {  	[tilespmem:s21+$0xC0] =	vst v2  }
0x202: {  	[tilespmem:s21+$0xD0] =	vst v2  }
0x203: {  	[tilespmem:s21+$0xE0] =	vst v2  }
0x204: {  	[tilespmem:s21+$0xF0] =	vst v2  }
0x205: {  	[tilespmem:s21+$0x480] =	vst v2  }
0x206: {  	[tilespmem:s21+$0x490] =	vst v2  }
0x207: {  	[tilespmem:s21+$0x4A0] =	vst v2  }
0x208: {  	[tilespmem:s21+$0x4B0] =	vst v2  }
0x209: {  	[tilespmem:s21+$0x4C0] =	vst v2  }
0x20a: {  	[tilespmem:s21+$0x4D0] =	vst v2  }
0x20b: {  	[tilespmem:s21+$0x4E0] =	vst v2  }
0x20c: {  	[tilespmem:s21+$0x4F0] =	vst v2  }
0x20d: {  	[tilespmem:s21+$0x880] =	vst v2  }
0x20e: {  	[tilespmem:s21+$0x890] =	vst v2  }
0x20f: {  	s20 =	sadd.s32 $0x1, s20;
	[tilespmem:s21+$0x8A0] =	vst v2  }
0x210: {  	s0 =	sand.u32 $0x3, s20;
	[tilespmem:s21+$0x8B0] =	vst v2  }
0x211: {  	s0 =	sshll.u32 s0, $0x8;
	[tilespmem:s21+$0x8C0] =	vst v2  }
0x212: {  	s0 =	sadd.s32 s0, s19;
	[tilespmem:s21+$0x8D0] =	vst v2  }
0x213: {  	s30 =	sor.u32 $0xC00, s0;
	s24 =	sor.u32 $0xC10, s0;
	s31 =	sadd.s32 $0x80, s0;
	[tilespmem:s21+$0x8E0] =	vst v2  }
0x214: {  	s26 =	sor.u32 $0xC20, s0;
	s25 =	sor.u32 $0xC30, s0;
	s22 =	sor.u32 $0xC00, s31;
	[tilespmem:s21+$0x8F0] =	vst v2  }
0x215: {  	s29 =	sor.u32 $0xC40, s0;
	s28 =	sor.u32 $0xC50, s0;
	s2 =	sor.u32 $0xC10, s31;
	[tilespmem:s22+$0x0] =	vst v2  }
0x216: {  	s23 =	sor.u32 $0xC60, s0;
	s22 =	sor.u32 $0xC70, s0;
	s0 =	sor.u32 $0xC20, s31;
	[tilespmem:s2+$0x0] =	vst v2  }
0x217: {  	s17 =	sadd.s32 $0x2, s17;
	[tilespmem:s0+$0x0] =	vst v2;
	s0 =	sor.u32 $0xC30, s31  }
0x218: {  	p2 =	slt.u32 s17, $0x7E;
	[tilespmem:s0+$0x0] =	vst v2;
	s0 =	sor.u32 $0xC40, s31  }
0x219: {  	[tilespmem:s0+$0x0] =	vst v2;
	s0 =	sor.u32 $0xC50, s31  }
0x21a: {  	[tilespmem:s0+$0x0] =	vst v2;
	s0 =	sor.u32 $0xC60, s31  }
0x21b: {  	[tilespmem:s0+$0x0] =	vst v2;
	s0 =	sor.u32 $0xC70, s31  }
0x21c: {  	p1 =	por $0x0, $0x0;
	[tilespmem:s0+$0x0] =	vst v2  }
0x21d: {  	[tilespmem:s21+$0x0] =	vst v2  }
0x21e: {  	[tilespmem:s21+$0x10] =	vst v2  }
0x21f: {  	[tilespmem:s21+$0x20] =	vst v2  }
0x220: {  	[tilespmem:s21+$0x30] =	vst v2  }
0x221: {  	[tilespmem:s21+$0x40] =	vst v2  }
0x222: {  	[tilespmem:s21+$0x50] =	vst v2  }
0x223: {  	[tilespmem:s21+$0x60] =	vst v2  }
0x224: {  	[tilespmem:s21+$0x70] =	vst v2  }
0x225: {  	[tilespmem:s21+$0x400] =	vst v2  }
0x226: {  	[tilespmem:s21+$0x410] =	vst v2  }
0x227: {  	[tilespmem:s21+$0x420] =	vst v2  }
0x228: {  	[tilespmem:s21+$0x430] =	vst v2  }
0x229: {  	[tilespmem:s21+$0x440] =	vst v2  }
0x22a: {  	[tilespmem:s21+$0x450] =	vst v2  }
0x22b: {  	[tilespmem:s21+$0x460] =	vst v2  }
0x22c: {  	[tilespmem:s21+$0x470] =	vst v2  }
0x22d: {  	[tilespmem:s21+$0x800] =	vst v2  }
0x22e: {  	[tilespmem:s21+$0x810] =	vst v2  }
0x22f: {  	[tilespmem:s21+$0x820] =	vst v2  }
0x230: {  	[tilespmem:s21+$0x830] =	vst v2  }
0x231: {  	[tilespmem:s30+$0x0] =	vst v2  }
0x232: {  	[tilespmem:s21+$0x840] =	vst v2  }
0x233: {  	[tilespmem:s21+$0x850] =	vst v2  }
0x234: {  	[tilespmem:s21+$0x860] =	vst v2  }
0x235: {  	[tilespmem:s21+$0x870] =	vst v2  }
.Ltmp7:
0x236: {  	[tilespmem:s24+$0x0] =	vst v2;
	(pc) =	sbr.rel @p2 .LBB2_11-.Ltmp7, $4  }
0x237: {  	[tilespmem:s26+$0x0] =	vst v2  }
0x238: {  	[tilespmem:s25+$0x0] =	vst v2  }
0x239: {  	[tilespmem:s29+$0x0] =	vst v2  }
0x23a: {  	s18 =	sadd.s32 $0x100, s18;
	s19 =	sadd.s32 $0x400, s19;
	[tilespmem:s28+$0x0] =	vst v2  }
0x23b: {  	[tilespmem:s23+$0x0] =	vst v2;
	s17 =	sand.u32 $0x40, s16;
	s24 =	sand.u32 $0x7F00, s16  }
0x23c: {  	s0 =	simm.s32 $0x1;
	[tilespmem:s22+$0x0] =	vst v2;
	s16 =	sor.u32 s17, s24  }
0x23d: {  	s0 =	simm.s32 @!p1 $0x0;
	v5 =	vld [tilespmem:s16+$0x10030]  }
0x23e: {  	s0 =	sshll.u32 s0, $0x6;
	v9 =	vld [tilespmem:s16+$0x10000]  }
0x23f: {  	v11 =	vld [tilespmem:s16+$0x10010];
	s0 =	sadd.s32 $0x0, s0  }
0x240: {  	v14 =	vld [tilespmem:s16+$0x10020];
	s2 =	sadd.s32 $0x30, s0  }
0x241: {  	s18 =	sadd.s32 $0x10, s0;
	s2 =	sor.u32 $0x80, s2  }
0x242: {  	s25 =	sor.u32 $0x80, s18;
	v4 =	vld [tilespmem:s2+$0x10000]  }
0x243: {  	v6 =	vld [tilespmem:s25+$0x10000]  }
0x244: {  	s26 =	sadd.s32 $0x20, s0;
	s0 =	sor.u32 $0x80, s0;
	v13 =	vshll.u32 v5, $0x3;
	v5 =	vand.u32 $0x7F, v5;
	v17 =	vshll.u32 v9, $0x3  }
0x245: {  	v8 =	vld [tilespmem:s0+$0x10000];
	v18 =	vshll.u32 v11, $0x3;
	v19 =	vshll.u32 v14, $0x3;
	v9 =	vand.u32 $0x7F, v9  }
0x246: {  	v14 =	vand.u32 $0x7F, v14;
	v13 =	vand.u32 $0xFFFFFC00, v13;
	v17 =	vand.u32 $0xFFFFFC00, v17  }
0x247: {  	v18 =	vand.u32 $0xFFFFFC00, v18;
	v19 =	vand.u32 $0xFFFFFC00, v19;
	v10 =	vsub.s32 v4, v1  }
0x248: {  	p1 =	por !p1, !p1;
	s17 =	sor.u32 $0x80, s26;
	s0 =	simm.s32 $0x1;
	v4 =	vshll.u32 v4, $0x7;
	v16 =	vsub.s32 v6, v1;
	v12 =	vshll.u32 v10, $0x9  }
0x249: {  	v7 =	vld [tilespmem:s17+$0x10000];
	s0 =	simm.s32 @!p1 $0x0;
	v6 =	vshll.u32 v6, $0x7;
	v4 =	vand.u32 $0x380, v4;
	v12 =	vand.u32 $0xFFFFF000, v12  }
0x24a: {  	s0 =	sshll.u32 s0, $0x6;
	vm2 =	vlt.u32 v10, $0x80;
	v10 =	vsub.s32 v8, v1;
	v12 =	vadd.s32 v13, v12  }
0x24b: {  	s0 =	sadd.s32 $0x80, s0;
	v8 =	vshll.u32 v8, $0x7;
	v6 =	vand.u32 $0x380, v6;
	v4 =	vor.u32 v4, v12  }
0x24c: {  	s16 =	simm.s32 $0x80;
	s17 =	simm.s32 $0x40;
	s28 =	sadd.s32 $0x30, s0;
	vm3 =	vlt.u32 v16, $0x80;
	v4 =	vor.u32 v5, v4;
	v5 =	vshll.u32 v10, $0x9  }
0x24d: {  	s19 =	sand.u32 $0x7F00, s16;
	s29 =	sand.u32 $0x40, s17;
	s2 =	sor.u32 $0x80, s28;
	v8 =	vand.u32 $0x380, v8;
	v13 =	vshll.u32 v16, $0x9;
	v5 =	vand.u32 $0xFFFFF000, v5  }
0x24e: {  	s19 =	sor.u32 s29, s19;
	v12 =	vsub.s32 v7, v1;
	v13 =	vand.u32 $0xFFFFF000, v13;
	v5 =	vadd.s32 v17, v5;
	v17 =	vld [tilespmem:s2+$0x10000]  }
0x24f: {  	s31 =	sadd.s32 $0x20, s0;
	v7 =	vshll.u32 v7, $0x7;
	v15 =	vshll.u32 v12, $0x9;
	v13 =	vadd.s32 v18, v13;
	v18 =	vld [tilespmem:s19+$0x10030]  }
0x250: {  	s30 =	sadd.s32 $0x10, s0;
	s18 =	sor.u32 $0x80, s31;
	vm1 =	vlt.u32 v10, $0x80;
	v7 =	vand.u32 $0x380, v7;
	v15 =	vand.u32 $0xFFFFF000, v15  }
0x251: {  	v6 =	vor.u32 v6, v13;
	v13 =	vand.u32 $0x7F, v11;
	v11 =	vld [tilespmem:s18+$0x10000];
	v15 =	vadd.s32 v19, v15;
	s2 =	sor.u32 $0x80, s30  }
0x252: {  	s0 =	sor.u32 $0x80, s0;
	vm0 =	vlt.u32 v12, $0x80;
	v5 =	vor.u32 v8, v5;
	v7 =	vor.u32 v7, v15;
	v8 =	vld [tilespmem:s2+$0x10000]  }
0x253: {  	v15 =	vor.u32 v13, v6;
	v13 =	vor.u32 v14, v7;
	v14 =	vld [tilespmem:s0+$0x10000];
	v6 =	vsub.s32 v17, v1  }
0x254: {  	v9 =	vor.u32 v9, v5;
	v7 =	vshll.u32 v18, $0x3;
	[tilespmem:v4+s1+$0x0] =	vst.idx.add.f32.msk vm2, v3;
	v5 =	vshll.u32 v6, $0x9  }
0x255: {  	v4 =	vld [tilespmem:s19+$0x10000];
	v7 =	vand.u32 $0xFFFFFC00, v7;
	v12 =	vshll.u32 v17, $0x7;
	v10 =	vand.u32 $0xFFFFF000, v5  }
0x256: {  	v12 =	vand.u32 $0x380, v12;
	v10 =	vadd.s32 v7, v10;
	v7 =	vld [tilespmem:s19+$0x10010]  }
0x257: {  	v17 =	vor.u32 v12, v10;
	v10 =	vld [tilespmem:s19+$0x10020]  }
0x258: {  	v16 =	vand.u32 $0x7F, v18;
	vm2 =	vlt.u32 v6, $0x80;
	v5 =	vsub.s32 v8, v1  }
0x259: {  	p1 =	por !p1, !p1;
	s18 =	simm.s32 $0x4;
	v6 =	vsub.s32 v14, v1;
	v12 =	vsub.s32 v11, v1;
	v16 =	vor.u32 v16, v17  }
.LBB2_13:
0x25a: {  	s0 =	simm.s32 $0x1  }
0x25b: {  	s18 =	sadd.s32 $0x4, s18;
	v17 =	vshll.u32 v6, $0x9;
	v18 =	vshll.u32 v5, $0x9;
	v19 =	vshll.u32 v12, $0x9;
	[tilespmem:v15+s1+$0x0] =	vst.idx.add.f32.msk vm3, v3;
	s0 =	simm.s32 @!p1 $0x0  }
0x25c: {  	v15 =	vshll.u32 v4, $0x3;
	v20 =	vshll.u32 v7, $0x3;
	v21 =	vshll.u32 v10, $0x3;
	s16 =	sadd.s32 $0x80, s16;
	p2 =	slt.u32 s18, $0x3E4;
	s0 =	sshll.u32 s0, $0x6;
	[tilespmem:v13+s1+$0x0] =	vst.idx.add.f32.msk vm0, v3  }
0x25d: {  	v13 =	vand.u32 $0xFFFFF000, v17;
	v17 =	vand.u32 $0xFFFFF000, v18;
	v18 =	vand.u32 $0xFFFFF000, v19;
	s0 =	sadd.s32 s0, s16;
	[tilespmem:v9+s1+$0x0] =	vst.idx.add.f32.msk vm1, v3  }
0x25e: {  	v8 =	vshll.u32 v8, $0x7;
	v11 =	vshll.u32 v11, $0x7;
	s17 =	sadd.s32 $0x40, s17;
	v9 =	vshll.u32 v14, $0x7;
	s2 =	sadd.s32 $0x10, s0;
	s19 =	sadd.s32 $0x30, s0  }
0x25f: {  	s20 =	sand.u32 $0x40, s17;
	s21 =	sand.u32 $0x7F00, s16;
	v19 =	vand.u32 $0xFFFFFC00, v21;
	v14 =	vand.u32 $0xFFFFFC00, v15;
	v15 =	vand.u32 $0xFFFFFC00, v20;
	s19 =	sor.u32 $0x80, s19;
	[tilespmem:v16+s1+$0x0] =	vst.idx.add.f32.msk vm2, v3  }
0x260: {  	s20 =	sor.u32 s20, s21;
	s21 =	sadd.s32 $0x20, s0;
	v13 =	vadd.s32 v14, v13;
	v14 =	vadd.s32 v15, v17;
	v15 =	vadd.s32 v19, v18;
	s2 =	sor.u32 $0x80, s2;
	v16 =	vld [tilespmem:s19+$0x10000]  }
0x261: {  	v11 =	vand.u32 $0x380, v11;
	s0 =	sor.u32 $0x80, s0;
	v9 =	vand.u32 $0x380, v9;
	v18 =	vand.u32 $0x380, v8;
	s19 =	sor.u32 $0x80, s21;
	v17 =	vld [tilespmem:s20+$0x10030]  }
0x262: {  	v9 =	vor.u32 v9, v13;
	v13 =	vor.u32 v18, v14;
	v18 =	vor.u32 v11, v15;
	v8 =	vld [tilespmem:s2+$0x10000]  }
0x263: {  	v4 =	vand.u32 $0x7F, v4;
	v7 =	vand.u32 $0x7F, v7;
	v10 =	vand.u32 $0x7F, v10;
	v11 =	vld [tilespmem:s19+$0x10000]  }
0x264: {  	v9 =	vor.u32 v4, v9;
	v15 =	vor.u32 v7, v13;
	v13 =	vor.u32 v10, v18;
	v14 =	vld [tilespmem:s0+$0x10000]  }
0x265: {  	vm3 =	vlt.u32 v5, $0x80;
	vm0 =	vlt.u32 v12, $0x80;
	v4 =	vld [tilespmem:s20+$0x10000];
	v18 =	vsub.s32 v16, v1  }
.Ltmp8:
0x266: {  	vm1 =	vlt.u32 v6, $0x80;
	v7 =	vld [tilespmem:s20+$0x10010];
	v5 =	vshll.u32 v18, $0x9;
	v12 =	vshll.u32 v17, $0x3;
	(pc) =	sbr.rel @p2 .LBB2_13-.Ltmp8, $4  }
0x267: {  	v16 =	vshll.u32 v16, $0x7;
	v10 =	vld [tilespmem:s20+$0x10020];
	v6 =	vand.u32 $0xFFFFF000, v5;
	v12 =	vand.u32 $0xFFFFFC00, v12  }
0x268: {  	v5 =	vsub.s32 v8, v1;
	v6 =	vadd.s32 v12, v6;
	v12 =	vand.u32 $0x380, v16  }
0x269: {  	vm2 =	vlt.u32 v18, $0x80;
	v16 =	vand.u32 $0x7F, v17;
	v17 =	vor.u32 v12, v6  }
0x26a: {  	p1 =	por !p1, !p1;
	v6 =	vsub.s32 v14, v1;
	v12 =	vsub.s32 v11, v1;
	v16 =	vor.u32 v16, v17  }
.Ltmp9:
0x26b: {  	_ = 	snop;
	(pc) =	sbr.rel .LBB2_14-.Ltmp9, $1  }
0x26c: {  	_ =	sdelay $0x3  }
.LBB2_16:
0x26d: {  	_ =	sfence.sel $0x180000  }
0x26e: {  	[bflag:$0x0] =	sbarrier.arrive $0xFFFF  }
0x26f: {  	_ =	strace $0x90000047  }
0x270: {  	s0 =	stileid.u32;
	[bflag:$0x2] =	sbarrier.arrive $0xFFFF  }
0x271: {  	p0 =	sne.s32 s0, $0x0;
	s0 =	rddreg [dreg:$0x2]  }
0x272: {  	s0 =	sadd.s32 @!p0 $0x100000, s0  }
0x273: {  	[sflag:s0] =	ssyncadd.tile.s32 @!p0 $0x1;
	_ =	shalt  }
.Lfunc_end2:
_tile_overlayer_lowered:
.L_overlay_start_2:
0x274: {  	(tag) =	ssettag $0x2  }
0x275: {  	s0 =	rddreg [dreg:$0x0];
	s2 =	stileid.u32  }
0x276: {  	s1 =	rddreg [dreg:$0x1];
	p0 =	sne.s32 s2, $0x0  }
0x277: {  	s3 =	rddreg [dreg:$0x2];
	[bflag:$0x3] =	sbarrier.arrive $0xFFFF;
	s2 =	simm.s32 @!p0 $0x1C03  }
0x278: {  	[timem:s3], [sflag:s2] =	dma.local @!p0 [hbm:s0], s1  }
0x279: {  	s0 =	simm.s32 @!p0 $0x3  }
0x27a: {  	_ =	swait.ge @!p0 [sflag:s0], s1  }
0x27b: {  	s1 =	ssub.s32 @!p0 $0x0, s1;
	[sflag:s0] =	ssyncset.done @!p0 $0x0  }
0x27c: {  	[sflag:s0] =	ssyncadd.s32 @!p0 s1  }
0x27d: {  	[bflag:$0x3] =	sbarrier.arrive $0xFFFF  }
0x27e: {  	_ =	shalt  }

</sc_bundles>
